<compile_context>
chip_gen: v7x
topology: tpu7x:2x2x1
jax: 0.10.2.dev20260603
libtpu: 0.0.44.dev20260713+nightly
codegen_flags: <defaults>
</compile_context>

<pallas_src>
import functools

import jax
import jax.numpy as jnp
from jax import lax
from jax.experimental import pallas as pl
from jax.experimental.pallas import tpu as pltpu
from jax.experimental.pallas import tpu_sc as plsc

_NUM_CORES = 2
_NUM_SUBCORES = 16
_NW = _NUM_CORES * _NUM_SUBCORES
_CHUNKS = (128, 128, 128, 64, 64)
_BUF = (0, 1, 2, 3, 3)
_NBUF = 4


@functools.lru_cache(maxsize=None)
def _make_gather(b0: int, b1: int, d: int):
    b = b0 * b1
    b_per_w = b // _NW
    assert b % _NW == 0 and _NW % b0 == 0
    assert sum(_CHUNKS) == b_per_w
    n_chunks = len(_CHUNKS)
    starts = [sum(_CHUNKS[:c]) for c in range(n_chunks)]
    w_per_row = _NW // b0

    mesh = plsc.VectorSubcoreMesh(core_axis_name="c", subcore_axis_name="s")
    scratch = [pltpu.VMEM((b_per_w,), jnp.int32)]
    scratch += [pltpu.VMEM((_CHUNKS[bi], d), jnp.float32)
                for bi in range(_NBUF)]
    scratch += [pltpu.SemaphoreType.DMA for _ in range(5)]

    @functools.partial(
        pl.kernel,
        mesh=mesh,
        out_type=jax.ShapeDtypeStruct((b, d), jnp.float32),
        scratch_types=scratch,
    )
    def gather_kernel(idx_hbm, table_hbm, out_hbm, idx_v,
                      buf0, buf1, buf2, buf3, isem0, isem1, gsem, ssem,
                      rsem):
        bufs = (buf0, buf1, buf2, buf3)
        wid = lax.axis_index("s") * _NUM_CORES + lax.axis_index("c")
        base = wid * b_per_w
        row = wid // w_per_row
        col = (wid % w_per_row) * b_per_w
        head = _CHUNKS[0]

        def idx_copy(lo, n, sem):
            return pltpu.make_async_copy(
                idx_hbm.at[row, pl.ds(col + lo, n)],
                idx_v.at[pl.ds(lo, n)], sem)

        def gather_copy(c):
            return pltpu.make_async_copy(
                table_hbm.at[idx_v.at[pl.ds(starts[c], _CHUNKS[c])]],
                bufs[_BUF[c]], gsem)

        def scatter_copy(c, sem):
            return pltpu.make_async_copy(
                bufs[_BUF[c]],
                out_hbm.at[pl.ds(base + starts[c], _CHUNKS[c])], sem)

        idx_copy(0, head, isem0).start()
        idx_copy(head, b_per_w - head, isem1).start()
        idx_copy(0, head, isem0).wait()
        gather_copy(0).start()
        idx_copy(head, b_per_w - head, isem1).wait()
        for c in range(1, 4):
            gather_copy(c).start()
        for c in range(4):
            gather_copy(c).wait()

        scatter_copy(3, rsem).start()
        for c in range(3):
            scatter_copy(c, ssem).start()
        scatter_copy(3, rsem).wait()

        gather_copy(4).start()
        gather_copy(4).wait()
        scatter_copy(4, ssem).start()

        for c in range(3):
            scatter_copy(c, ssem).wait()
        scatter_copy(4, ssem).wait()

    return gather_kernel


def kernel(embed_id, weight):
    b0, b1 = embed_id.shape
    d = weight.shape[1]
    idx = jnp.asarray(embed_id, jnp.int32)
    out = _make_gather(b0, b1, d)(idx, weight)
    return out.reshape(b0, b1, d)

# --- scband reference (transcript-rebuilt; emitter-appended) ---
"""Pipeline reference for scband-emaembedding-58978490909117 (READ-ONLY COPY).

The authoritative reference and input builder live on the scoring server;
editing this copy changes nothing except your own understanding.
"""

import jax, jax.numpy as jnp
import numpy as np

NUM_TOKENS = 8192
CODEBOOK_DIM = 256


def _l2_normalize(x, eps=1e-06):
    norm = jnp.sqrt(jnp.sum(x * x, axis=-1, keepdims=True))
    return x / jnp.maximum(norm, eps)


def setup_inputs(seed: int = 0) -> dict:
    key = jax.random.key(seed)
    k1, k2 = jax.random.split(key)
    embed_id = jax.random.randint(k1, (16, 1024), 0, NUM_TOKENS, dtype=jnp.int64 if jax.config.jax_enable_x64 else jnp.int32)
    weight = jax.random.normal(k2, (NUM_TOKENS, CODEBOOK_DIM), dtype=jnp.float32)
    weight = _l2_normalize(weight)  # l2_norm=True at init, matching torch module
    return {"embed_id": embed_id, "weight": weight}


def reference(embed_id, weight):
    # F.embedding(embed_id, self.weight) -> gather rows of the codebook
    return jnp.take(weight, embed_id, axis=0)

if __name__ == "__main__":
    import jax
    _d = setup_inputs()
    print(jax.jit(kernel)(*tuple(_d.values())))

</pallas_src>

<mosaic_0001>
#map = affine_map<(d0, d1) -> (0, 0)>
module attributes {stable_mosaic.version = 14 : i64} {
  func.func @gather_kernel(%arg0: i32, %arg1: i32, %arg2: memref<16x1024xi32, #tpu.memory_space<hbm>>, %arg3: memref<8192x256xf32, #tpu.memory_space<hbm>>, %arg4: memref<16384x256xf32, #tpu.memory_space<hbm>>, %arg5: memref<512xi32, #tpu.memory_space<vmem>>, %arg6: memref<128x256xf32, #tpu.memory_space<vmem>>, %arg7: memref<128x256xf32, #tpu.memory_space<vmem>>, %arg8: memref<128x256xf32, #tpu.memory_space<vmem>>, %arg9: memref<64x256xf32, #tpu.memory_space<vmem>>, %arg10: memref<!tpu.dma_semaphore, #tpu.memory_space<semaphore_mem>>, %arg11: memref<!tpu.dma_semaphore, #tpu.memory_space<semaphore_mem>>, %arg12: memref<!tpu.dma_semaphore, #tpu.memory_space<semaphore_mem>>, %arg13: memref<!tpu.dma_semaphore, #tpu.memory_space<semaphore_mem>>, %arg14: memref<!tpu.dma_semaphore, #tpu.memory_space<semaphore_mem>>) attributes {dimension_semantics = [#tpu.dimension_semantics<core_parallel>, #tpu.dimension_semantics<subcore_parallel>], iteration_bounds = array<i64: 2, 16>, scalar_prefetch = 0 : i64, scratch_operands = 10 : i64, tpu.core_type = #tpu.core_type<sc_vector_subcore>, window_params = [{transform_indices = #map}, {transform_indices = #map}, {transform_indices = #map}]} {
    %mul3A = arith.constant 2 : i32
    %mul3A_0 = arith.muli %arg1, %mul3A : i32
    %add3A = arith.addi %mul3A_0, %arg0 : i32
    %mul3A_1 = arith.constant 512 : i32
    %mul3A_2 = arith.muli %add3A, %mul3A_1 : i32
    %jit3A = arith.constant 2 : i32
    %div3A = arith.divsi %add3A, %jit3A : i32
    %sign3A = arith.constant 0 : i32
    %sign3A_3 = arith.cmpi sgt, %add3A, %sign3A : i32
    %sign3A_4 = arith.extui %sign3A_3 : i1 to i32
    %sign3A_5 = arith.constant 0 : i32
    %sign3A_6 = arith.cmpi slt, %add3A, %sign3A_5 : i32
    %sign3A_7 = arith.extui %sign3A_6 : i1 to i32
    %sign3A_8 = arith.subi %sign3A_4, %sign3A_7 : i32
    %sign3A_9 = arith.constant 0 : i32
    %sign3A_10 = arith.cmpi sgt, %jit3A, %sign3A_9 : i32
    %sign3A_11 = arith.extui %sign3A_10 : i1 to i32
    %sign3A_12 = arith.constant 0 : i32
    %sign3A_13 = arith.cmpi slt, %jit3A, %sign3A_12 : i32
    %sign3A_14 = arith.extui %sign3A_13 : i1 to i32
    %sign3A_15 = arith.subi %sign3A_11, %sign3A_14 : i32
    %ne3A = arith.cmpi ne, %sign3A_8, %sign3A_15 : i32
    %rem3A = arith.remsi %add3A, %jit3A : i32
    %ne3A_16 = arith.constant 0 : i32
    %ne3A_17 = arith.cmpi ne, %rem3A, %ne3A_16 : i32
    %and3A = arith.andi %ne3A, %ne3A_17 : i1
    %sub3A = arith.constant 1 : i32
    %sub3A_18 = arith.subi %div3A, %sub3A : i32
    %select_n3A = arith.select %and3A, %sub3A_18, %div3A : i32
    %jit3A_19 = arith.constant 2 : i32
    %eq3A = arith.constant 0 : i32
    %eq3A_20 = arith.cmpi eq, %jit3A_19, %eq3A : i32
    %jit3A_21 = arith.constant 1 : i32
    %select_n3A_22 = arith.select %eq3A_20, %jit3A_21, %jit3A_19 : i32
    %rem3A_23 = arith.remsi %add3A, %select_n3A_22 : i32
    %ne3A_24 = arith.constant 0 : i32
    %ne3A_25 = arith.cmpi ne, %rem3A_23, %ne3A_24 : i32
    %lt3A = arith.constant 0 : i32
    %lt3A_26 = arith.cmpi slt, %rem3A_23, %lt3A : i32
    %lt3A_27 = arith.constant 0 : i32
    %lt3A_28 = arith.cmpi slt, %select_n3A_22, %lt3A_27 : i32
    %ne3A_29 = arith.xori %lt3A_26, %lt3A_28 : i1
    %and3A_30 = arith.andi %ne3A_29, %ne3A_25 : i1
    %add3A_31 = arith.addi %rem3A_23, %select_n3A_22 : i32
    %select_n3A_32 = arith.select %and3A_30, %add3A_31, %rem3A_23 : i32
    %mul3A_33 = arith.constant 512 : i32
    %mul3A_34 = arith.muli %select_n3A_32, %mul3A_33 : i32
    %add3A_35 = arith.constant 0 : i32
    %add3A_36 = arith.addi %mul3A_34, %add3A_35 : i32
    %dma_start3A = arith.constant 0 : i32
    %dma_start3A_37 = tpu.memref_slice %arg5[%dma_start3A] : memref<512xi32, #tpu.memory_space<vmem>> -> memref<128xi32, #tpu.memory_space<vmem>>
    %dma_start3A_38 = tpu.memref_slice %arg2[%select_n3A, %add3A_36] : memref<16x1024xi32, #tpu.memory_space<hbm>> -> memref<1x128xi32, #tpu.memory_space<hbm>>
    %dma_start3A_39 = tpu.memref_squeeze %dma_start3A_38 : memref<1x128xi32, #tpu.memory_space<hbm>> -> memref<128xi32, #tpu.memory_space<hbm>>
    %dma_start3A_40 = arith.constant 0 : i32
    %dma_start3A_41 = tpu.memref_slice %arg5[%dma_start3A_40] : memref<512xi32, #tpu.memory_space<vmem>> -> memref<128xi32, #tpu.memory_space<vmem>>
    %dma_start3A_42 = tpu.memref_slice %arg2[%select_n3A, %add3A_36] : memref<16x1024xi32, #tpu.memory_space<hbm>> -> memref<1x128xi32, #tpu.memory_space<hbm>>
    %dma_start3A_43 = tpu.memref_squeeze %dma_start3A_42 : memref<1x128xi32, #tpu.memory_space<hbm>> -> memref<128xi32, #tpu.memory_space<hbm>>
    tpu.enqueue_dma source(%dma_start3A_43 : memref<128xi32, #tpu.memory_space<hbm>>) target(%dma_start3A_41 : memref<128xi32, #tpu.memory_space<vmem>>) target_semaphore(%arg10 : memref<!tpu.dma_semaphore, #tpu.memory_space<semaphore_mem>>)
    %add3A_44 = arith.constant 128 : i32
    %add3A_45 = arith.addi %mul3A_34, %add3A_44 : i32
    %dma_start3A_46 = arith.constant 128 : i32
    %dma_start3A_47 = tpu.memref_slice %arg5[%dma_start3A_46] : memref<512xi32, #tpu.memory_space<vmem>> -> memref<384xi32, #tpu.memory_space<vmem>>
    %dma_start3A_48 = tpu.memref_slice %arg2[%select_n3A, %add3A_45] : memref<16x1024xi32, #tpu.memory_space<hbm>> -> memref<1x384xi32, #tpu.memory_space<hbm>>
    %dma_start3A_49 = tpu.memref_squeeze %dma_start3A_48 : memref<1x384xi32, #tpu.memory_space<hbm>> -> memref<384xi32, #tpu.memory_space<hbm>>
    %dma_start3A_50 = arith.constant 128 : i32
    %dma_start3A_51 = tpu.memref_slice %arg5[%dma_start3A_50] : memref<512xi32, #tpu.memory_space<vmem>> -> memref<384xi32, #tpu.memory_space<vmem>>
    %dma_start3A_52 = tpu.memref_slice %arg2[%select_n3A, %add3A_45] : memref<16x1024xi32, #tpu.memory_space<hbm>> -> memref<1x384xi32, #tpu.memory_space<hbm>>
    %dma_start3A_53 = tpu.memref_squeeze %dma_start3A_52 : memref<1x384xi32, #tpu.memory_space<hbm>> -> memref<384xi32, #tpu.memory_space<hbm>>
    tpu.enqueue_dma source(%dma_start3A_53 : memref<384xi32, #tpu.memory_space<hbm>>) target(%dma_start3A_51 : memref<384xi32, #tpu.memory_space<vmem>>) target_semaphore(%arg11 : memref<!tpu.dma_semaphore, #tpu.memory_space<semaphore_mem>>)
    %add3A_54 = arith.constant 0 : i32
    %add3A_55 = arith.addi %mul3A_34, %add3A_54 : i32
    %dma_wait3A = arith.constant 0 : i32
    %dma_wait3A_56 = tpu.memref_slice %arg5[%dma_wait3A] : memref<512xi32, #tpu.memory_space<vmem>> -> memref<128xi32, #tpu.memory_space<vmem>>
    %dma_wait3A_57 = tpu.memref_slice %arg2[%select_n3A, %add3A_55] : memref<16x1024xi32, #tpu.memory_space<hbm>> -> memref<1x128xi32, #tpu.memory_space<hbm>>
    %dma_wait3A_58 = tpu.memref_squeeze %dma_wait3A_57 : memref<1x128xi32, #tpu.memory_space<hbm>> -> memref<128xi32, #tpu.memory_space<hbm>>
    %dma_wait3A_59 = arith.constant 0 : i32
    %dma_wait3A_60 = tpu.memref_slice %arg5[%dma_wait3A_59] : memref<512xi32, #tpu.memory_space<vmem>> -> memref<128xi32, #tpu.memory_space<vmem>>
    %dma_wait3A_61 = tpu.memref_slice %arg2[%select_n3A, %add3A_55] : memref<16x1024xi32, #tpu.memory_space<hbm>> -> memref<1x128xi32, #tpu.memory_space<hbm>>
    %dma_wait3A_62 = tpu.memref_squeeze %dma_wait3A_61 : memref<1x128xi32, #tpu.memory_space<hbm>> -> memref<128xi32, #tpu.memory_space<hbm>>
    tpu.wait_dma2 semaphore(%arg10 : memref<!tpu.dma_semaphore, #tpu.memory_space<semaphore_mem>>) src(%dma_wait3A_62 : memref<128xi32, #tpu.memory_space<hbm>>) dst(%dma_wait3A_60 : memref<128xi32, #tpu.memory_space<vmem>>)
    %dma_start3A_63 = arith.constant 0 : i32
    %dma_start3A_64 = tpu.memref_slice %arg5[%dma_start3A_63] : memref<512xi32, #tpu.memory_space<vmem>> -> memref<128xi32, #tpu.memory_space<vmem>>
    %dma_start3A_65 = arith.constant 0 : i32
    %dma_start3A_66 = arith.constant 0 : i32
    %dma_start3A_67 = tpu.memref_slice %arg3[%dma_start3A_65, %dma_start3A_66] : memref<8192x256xf32, #tpu.memory_space<hbm>> -> memref<8192x256xf32, #tpu.memory_space<hbm>>
    tpu.enqueue_indirect_dma source(%dma_start3A_67 : memref<8192x256xf32, #tpu.memory_space<hbm>>) target(%arg6 : memref<128x256xf32, #tpu.memory_space<vmem>>) offsets(%dma_start3A_64 : memref<128xi32, #tpu.memory_space<vmem>>) semaphore(%arg12 : memref<!tpu.dma_semaphore, #tpu.memory_space<semaphore_mem>>)
    %add3A_68 = arith.constant 128 : i32
    %add3A_69 = arith.addi %mul3A_34, %add3A_68 : i32
    %dma_wait3A_70 = arith.constant 128 : i32
    %dma_wait3A_71 = tpu.memref_slice %arg5[%dma_wait3A_70] : memref<512xi32, #tpu.memory_space<vmem>> -> memref<384xi32, #tpu.memory_space<vmem>>
    %dma_wait3A_72 = tpu.memref_slice %arg2[%select_n3A, %add3A_69] : memref<16x1024xi32, #tpu.memory_space<hbm>> -> memref<1x384xi32, #tpu.memory_space<hbm>>
    %dma_wait3A_73 = tpu.memref_squeeze %dma_wait3A_72 : memref<1x384xi32, #tpu.memory_space<hbm>> -> memref<384xi32, #tpu.memory_space<hbm>>
    %dma_wait3A_74 = arith.constant 128 : i32
    %dma_wait3A_75 = tpu.memref_slice %arg5[%dma_wait3A_74] : memref<512xi32, #tpu.memory_space<vmem>> -> memref<384xi32, #tpu.memory_space<vmem>>
    %dma_wait3A_76 = tpu.memref_slice %arg2[%select_n3A, %add3A_69] : memref<16x1024xi32, #tpu.memory_space<hbm>> -> memref<1x384xi32, #tpu.memory_space<hbm>>
    %dma_wait3A_77 = tpu.memref_squeeze %dma_wait3A_76 : memref<1x384xi32, #tpu.memory_space<hbm>> -> memref<384xi32, #tpu.memory_space<hbm>>
    tpu.wait_dma2 semaphore(%arg11 : memref<!tpu.dma_semaphore, #tpu.memory_space<semaphore_mem>>) src(%dma_wait3A_77 : memref<384xi32, #tpu.memory_space<hbm>>) dst(%dma_wait3A_75 : memref<384xi32, #tpu.memory_space<vmem>>)
    %dma_start3A_78 = arith.constant 128 : i32
    %dma_start3A_79 = tpu.memref_slice %arg5[%dma_start3A_78] : memref<512xi32, #tpu.memory_space<vmem>> -> memref<128xi32, #tpu.memory_space<vmem>>
    %dma_start3A_80 = arith.constant 0 : i32
    %dma_start3A_81 = arith.constant 0 : i32
    %dma_start3A_82 = tpu.memref_slice %arg3[%dma_start3A_80, %dma_start3A_81] : memref<8192x256xf32, #tpu.memory_space<hbm>> -> memref<8192x256xf32, #tpu.memory_space<hbm>>
    tpu.enqueue_indirect_dma source(%dma_start3A_82 : memref<8192x256xf32, #tpu.memory_space<hbm>>) target(%arg7 : memref<128x256xf32, #tpu.memory_space<vmem>>) offsets(%dma_start3A_79 : memref<128xi32, #tpu.memory_space<vmem>>) semaphore(%arg12 : memref<!tpu.dma_semaphore, #tpu.memory_space<semaphore_mem>>)
    %dma_start3A_83 = arith.constant 256 : i32
    %dma_start3A_84 = tpu.memref_slice %arg5[%dma_start3A_83] : memref<512xi32, #tpu.memory_space<vmem>> -> memref<128xi32, #tpu.memory_space<vmem>>
    %dma_start3A_85 = arith.constant 0 : i32
    %dma_start3A_86 = arith.constant 0 : i32
    %dma_start3A_87 = tpu.memref_slice %arg3[%dma_start3A_85, %dma_start3A_86] : memref<8192x256xf32, #tpu.memory_space<hbm>> -> memref<8192x256xf32, #tpu.memory_space<hbm>>
    tpu.enqueue_indirect_dma source(%dma_start3A_87 : memref<8192x256xf32, #tpu.memory_space<hbm>>) target(%arg8 : memref<128x256xf32, #tpu.memory_space<vmem>>) offsets(%dma_start3A_84 : memref<128xi32, #tpu.memory_space<vmem>>) semaphore(%arg12 : memref<!tpu.dma_semaphore, #tpu.memory_space<semaphore_mem>>)
    %dma_start3A_88 = arith.constant 384 : i32
    %dma_start3A_89 = tpu.memref_slice %arg5[%dma_start3A_88] : memref<512xi32, #tpu.memory_space<vmem>> -> memref<64xi32, #tpu.memory_space<vmem>>
    %dma_start3A_90 = arith.constant 0 : i32
    %dma_start3A_91 = arith.constant 0 : i32
    %dma_start3A_92 = tpu.memref_slice %arg3[%dma_start3A_90, %dma_start3A_91] : memref<8192x256xf32, #tpu.memory_space<hbm>> -> memref<8192x256xf32, #tpu.memory_space<hbm>>
    tpu.enqueue_indirect_dma source(%dma_start3A_92 : memref<8192x256xf32, #tpu.memory_space<hbm>>) target(%arg9 : memref<64x256xf32, #tpu.memory_space<vmem>>) offsets(%dma_start3A_89 : memref<64xi32, #tpu.memory_space<vmem>>) semaphore(%arg12 : memref<!tpu.dma_semaphore, #tpu.memory_space<semaphore_mem>>)
    %dma_wait3A_93 = arith.constant 0 : i32
    %dma_wait3A_94 = tpu.memref_slice %arg5[%dma_wait3A_93] : memref<512xi32, #tpu.memory_space<vmem>> -> memref<128xi32, #tpu.memory_space<vmem>>
    %dma_wait3A_95 = arith.constant 0 : i32
    %dma_wait3A_96 = arith.constant 0 : i32
    %dma_wait3A_97 = tpu.memref_slice %arg3[%dma_wait3A_95, %dma_wait3A_96] : memref<8192x256xf32, #tpu.memory_space<hbm>> -> memref<8192x256xf32, #tpu.memory_space<hbm>>
    tpu.wait_indirect_dma semaphore(%arg12 : memref<!tpu.dma_semaphore, #tpu.memory_space<semaphore_mem>>) src(%dma_wait3A_97 : memref<8192x256xf32, #tpu.memory_space<hbm>>) dst(%arg6 : memref<128x256xf32, #tpu.memory_space<vmem>>)
    %dma_wait3A_98 = arith.constant 128 : i32
    %dma_wait3A_99 = tpu.memref_slice %arg5[%dma_wait3A_98] : memref<512xi32, #tpu.memory_space<vmem>> -> memref<128xi32, #tpu.memory_space<vmem>>
    %dma_wait3A_100 = arith.constant 0 : i32
    %dma_wait3A_101 = arith.constant 0 : i32
    %dma_wait3A_102 = tpu.memref_slice %arg3[%dma_wait3A_100, %dma_wait3A_101] : memref<8192x256xf32, #tpu.memory_space<hbm>> -> memref<8192x256xf32, #tpu.memory_space<hbm>>
    tpu.wait_indirect_dma semaphore(%arg12 : memref<!tpu.dma_semaphore, #tpu.memory_space<semaphore_mem>>) src(%dma_wait3A_102 : memref<8192x256xf32, #tpu.memory_space<hbm>>) dst(%arg7 : memref<128x256xf32, #tpu.memory_space<vmem>>)
    %dma_wait3A_103 = arith.constant 256 : i32
    %dma_wait3A_104 = tpu.memref_slice %arg5[%dma_wait3A_103] : memref<512xi32, #tpu.memory_space<vmem>> -> memref<128xi32, #tpu.memory_space<vmem>>
    %dma_wait3A_105 = arith.constant 0 : i32
    %dma_wait3A_106 = arith.constant 0 : i32
    %dma_wait3A_107 = tpu.memref_slice %arg3[%dma_wait3A_105, %dma_wait3A_106] : memref<8192x256xf32, #tpu.memory_space<hbm>> -> memref<8192x256xf32, #tpu.memory_space<hbm>>
    tpu.wait_indirect_dma semaphore(%arg12 : memref<!tpu.dma_semaphore, #tpu.memory_space<semaphore_mem>>) src(%dma_wait3A_107 : memref<8192x256xf32, #tpu.memory_space<hbm>>) dst(%arg8 : memref<128x256xf32, #tpu.memory_space<vmem>>)
    %dma_wait3A_108 = arith.constant 384 : i32
    %dma_wait3A_109 = tpu.memref_slice %arg5[%dma_wait3A_108] : memref<512xi32, #tpu.memory_space<vmem>> -> memref<64xi32, #tpu.memory_space<vmem>>
    %dma_wait3A_110 = arith.constant 0 : i32
    %dma_wait3A_111 = arith.constant 0 : i32
    %dma_wait3A_112 = tpu.memref_slice %arg3[%dma_wait3A_110, %dma_wait3A_111] : memref<8192x256xf32, #tpu.memory_space<hbm>> -> memref<8192x256xf32, #tpu.memory_space<hbm>>
    tpu.wait_indirect_dma semaphore(%arg12 : memref<!tpu.dma_semaphore, #tpu.memory_space<semaphore_mem>>) src(%dma_wait3A_112 : memref<8192x256xf32, #tpu.memory_space<hbm>>) dst(%arg9 : memref<64x256xf32, #tpu.memory_space<vmem>>)
    %add3A_113 = arith.constant 384 : i32
    %add3A_114 = arith.addi %mul3A_2, %add3A_113 : i32
    %dma_start3A_115 = arith.constant 0 : i32
    %dma_start3A_116 = tpu.memref_slice %arg4[%add3A_114, %dma_start3A_115] : memref<16384x256xf32, #tpu.memory_space<hbm>> -> memref<64x256xf32, #tpu.memory_space<hbm>>
    %dma_start3A_117 = arith.constant 0 : i32
    %dma_start3A_118 = tpu.memref_slice %arg4[%add3A_114, %dma_start3A_117] : memref<16384x256xf32, #tpu.memory_space<hbm>> -> memref<64x256xf32, #tpu.memory_space<hbm>>
    tpu.enqueue_dma source(%arg9 : memref<64x256xf32, #tpu.memory_space<vmem>>) target(%dma_start3A_118 : memref<64x256xf32, #tpu.memory_space<hbm>>) target_semaphore(%arg14 : memref<!tpu.dma_semaphore, #tpu.memory_space<semaphore_mem>>)
    %add3A_119 = arith.constant 0 : i32
    %add3A_120 = arith.addi %mul3A_2, %add3A_119 : i32
    %dma_start3A_121 = arith.constant 0 : i32
    %dma_start3A_122 = tpu.memref_slice %arg4[%add3A_120, %dma_start3A_121] : memref<16384x256xf32, #tpu.memory_space<hbm>> -> memref<128x256xf32, #tpu.memory_space<hbm>>
    %dma_start3A_123 = arith.constant 0 : i32
    %dma_start3A_124 = tpu.memref_slice %arg4[%add3A_120, %dma_start3A_123] : memref<16384x256xf32, #tpu.memory_space<hbm>> -> memref<128x256xf32, #tpu.memory_space<hbm>>
    tpu.enqueue_dma source(%arg6 : memref<128x256xf32, #tpu.memory_space<vmem>>) target(%dma_start3A_124 : memref<128x256xf32, #tpu.memory_space<hbm>>) target_semaphore(%arg13 : memref<!tpu.dma_semaphore, #tpu.memory_space<semaphore_mem>>)
    %add3A_125 = arith.constant 128 : i32
    %add3A_126 = arith.addi %mul3A_2, %add3A_125 : i32
    %dma_start3A_127 = arith.constant 0 : i32
    %dma_start3A_128 = tpu.memref_slice %arg4[%add3A_126, %dma_start3A_127] : memref<16384x256xf32, #tpu.memory_space<hbm>> -> memref<128x256xf32, #tpu.memory_space<hbm>>
    %dma_start3A_129 = arith.constant 0 : i32
    %dma_start3A_130 = tpu.memref_slice %arg4[%add3A_126, %dma_start3A_129] : memref<16384x256xf32, #tpu.memory_space<hbm>> -> memref<128x256xf32, #tpu.memory_space<hbm>>
    tpu.enqueue_dma source(%arg7 : memref<128x256xf32, #tpu.memory_space<vmem>>) target(%dma_start3A_130 : memref<128x256xf32, #tpu.memory_space<hbm>>) target_semaphore(%arg13 : memref<!tpu.dma_semaphore, #tpu.memory_space<semaphore_mem>>)
    %add3A_131 = arith.constant 256 : i32
    %add3A_132 = arith.addi %mul3A_2, %add3A_131 : i32
    %dma_start3A_133 = arith.constant 0 : i32
    %dma_start3A_134 = tpu.memref_slice %arg4[%add3A_132, %dma_start3A_133] : memref<16384x256xf32, #tpu.memory_space<hbm>> -> memref<128x256xf32, #tpu.memory_space<hbm>>
    %dma_start3A_135 = arith.constant 0 : i32
    %dma_start3A_136 = tpu.memref_slice %arg4[%add3A_132, %dma_start3A_135] : memref<16384x256xf32, #tpu.memory_space<hbm>> -> memref<128x256xf32, #tpu.memory_space<hbm>>
    tpu.enqueue_dma source(%arg8 : memref<128x256xf32, #tpu.memory_space<vmem>>) target(%dma_start3A_136 : memref<128x256xf32, #tpu.memory_space<hbm>>) target_semaphore(%arg13 : memref<!tpu.dma_semaphore, #tpu.memory_space<semaphore_mem>>)
    %add3A_137 = arith.constant 384 : i32
    %add3A_138 = arith.addi %mul3A_2, %add3A_137 : i32
    %dma_wait3A_139 = arith.constant 0 : i32
    %dma_wait3A_140 = tpu.memref_slice %arg4[%add3A_138, %dma_wait3A_139] : memref<16384x256xf32, #tpu.memory_space<hbm>> -> memref<64x256xf32, #tpu.memory_space<hbm>>
    %dma_wait3A_141 = arith.constant 0 : i32
    %dma_wait3A_142 = tpu.memref_slice %arg4[%add3A_138, %dma_wait3A_141] : memref<16384x256xf32, #tpu.memory_space<hbm>> -> memref<64x256xf32, #tpu.memory_space<hbm>>
    tpu.wait_dma2 semaphore(%arg14 : memref<!tpu.dma_semaphore, #tpu.memory_space<semaphore_mem>>) src(%arg9 : memref<64x256xf32, #tpu.memory_space<vmem>>) dst(%dma_wait3A_142 : memref<64x256xf32, #tpu.memory_space<hbm>>)
    %dma_start3A_143 = arith.constant 448 : i32
    %dma_start3A_144 = tpu.memref_slice %arg5[%dma_start3A_143] : memref<512xi32, #tpu.memory_space<vmem>> -> memref<64xi32, #tpu.memory_space<vmem>>
    %dma_start3A_145 = arith.constant 0 : i32
    %dma_start3A_146 = arith.constant 0 : i32
    %dma_start3A_147 = tpu.memref_slice %arg3[%dma_start3A_145, %dma_start3A_146] : memref<8192x256xf32, #tpu.memory_space<hbm>> -> memref<8192x256xf32, #tpu.memory_space<hbm>>
    tpu.enqueue_indirect_dma source(%dma_start3A_147 : memref<8192x256xf32, #tpu.memory_space<hbm>>) target(%arg9 : memref<64x256xf32, #tpu.memory_space<vmem>>) offsets(%dma_start3A_144 : memref<64xi32, #tpu.memory_space<vmem>>) semaphore(%arg12 : memref<!tpu.dma_semaphore, #tpu.memory_space<semaphore_mem>>)
    %dma_wait3A_148 = arith.constant 448 : i32
    %dma_wait3A_149 = tpu.memref_slice %arg5[%dma_wait3A_148] : memref<512xi32, #tpu.memory_space<vmem>> -> memref<64xi32, #tpu.memory_space<vmem>>
    %dma_wait3A_150 = arith.constant 0 : i32
    %dma_wait3A_151 = arith.constant 0 : i32
    %dma_wait3A_152 = tpu.memref_slice %arg3[%dma_wait3A_150, %dma_wait3A_151] : memref<8192x256xf32, #tpu.memory_space<hbm>> -> memref<8192x256xf32, #tpu.memory_space<hbm>>
    tpu.wait_indirect_dma semaphore(%arg12 : memref<!tpu.dma_semaphore, #tpu.memory_space<semaphore_mem>>) src(%dma_wait3A_152 : memref<8192x256xf32, #tpu.memory_space<hbm>>) dst(%arg9 : memref<64x256xf32, #tpu.memory_space<vmem>>)
    %add3A_153 = arith.constant 448 : i32
    %add3A_154 = arith.addi %mul3A_2, %add3A_153 : i32
    %dma_start3A_155 = arith.constant 0 : i32
    %dma_start3A_156 = tpu.memref_slice %arg4[%add3A_154, %dma_start3A_155] : memref<16384x256xf32, #tpu.memory_space<hbm>> -> memref<64x256xf32, #tpu.memory_space<hbm>>
    %dma_start3A_157 = arith.constant 0 : i32
    %dma_start3A_158 = tpu.memref_slice %arg4[%add3A_154, %dma_start3A_157] : memref<16384x256xf32, #tpu.memory_space<hbm>> -> memref<64x256xf32, #tpu.memory_space<hbm>>
    tpu.enqueue_dma source(%arg9 : memref<64x256xf32, #tpu.memory_space<vmem>>) target(%dma_start3A_158 : memref<64x256xf32, #tpu.memory_space<hbm>>) target_semaphore(%arg13 : memref<!tpu.dma_semaphore, #tpu.memory_space<semaphore_mem>>)
    %add3A_159 = arith.constant 0 : i32
    %add3A_160 = arith.addi %mul3A_2, %add3A_159 : i32
    %dma_wait3A_161 = arith.constant 0 : i32
    %dma_wait3A_162 = tpu.memref_slice %arg4[%add3A_160, %dma_wait3A_161] : memref<16384x256xf32, #tpu.memory_space<hbm>> -> memref<128x256xf32, #tpu.memory_space<hbm>>
    %dma_wait3A_163 = arith.constant 0 : i32
    %dma_wait3A_164 = tpu.memref_slice %arg4[%add3A_160, %dma_wait3A_163] : memref<16384x256xf32, #tpu.memory_space<hbm>> -> memref<128x256xf32, #tpu.memory_space<hbm>>
    tpu.wait_dma2 semaphore(%arg13 : memref<!tpu.dma_semaphore, #tpu.memory_space<semaphore_mem>>) src(%arg6 : memref<128x256xf32, #tpu.memory_space<vmem>>) dst(%dma_wait3A_164 : memref<128x256xf32, #tpu.memory_space<hbm>>)
    %add3A_165 = arith.constant 128 : i32
    %add3A_166 = arith.addi %mul3A_2, %add3A_165 : i32
    %dma_wait3A_167 = arith.constant 0 : i32
    %dma_wait3A_168 = tpu.memref_slice %arg4[%add3A_166, %dma_wait3A_167] : memref<16384x256xf32, #tpu.memory_space<hbm>> -> memref<128x256xf32, #tpu.memory_space<hbm>>
    %dma_wait3A_169 = arith.constant 0 : i32
    %dma_wait3A_170 = tpu.memref_slice %arg4[%add3A_166, %dma_wait3A_169] : memref<16384x256xf32, #tpu.memory_space<hbm>> -> memref<128x256xf32, #tpu.memory_space<hbm>>
    tpu.wait_dma2 semaphore(%arg13 : memref<!tpu.dma_semaphore, #tpu.memory_space<semaphore_mem>>) src(%arg7 : memref<128x256xf32, #tpu.memory_space<vmem>>) dst(%dma_wait3A_170 : memref<128x256xf32, #tpu.memory_space<hbm>>)
    %add3A_171 = arith.constant 256 : i32
    %add3A_172 = arith.addi %mul3A_2, %add3A_171 : i32
    %dma_wait3A_173 = arith.constant 0 : i32
    %dma_wait3A_174 = tpu.memref_slice %arg4[%add3A_172, %dma_wait3A_173] : memref<16384x256xf32, #tpu.memory_space<hbm>> -> memref<128x256xf32, #tpu.memory_space<hbm>>
    %dma_wait3A_175 = arith.constant 0 : i32
    %dma_wait3A_176 = tpu.memref_slice %arg4[%add3A_172, %dma_wait3A_175] : memref<16384x256xf32, #tpu.memory_space<hbm>> -> memref<128x256xf32, #tpu.memory_space<hbm>>
    tpu.wait_dma2 semaphore(%arg13 : memref<!tpu.dma_semaphore, #tpu.memory_space<semaphore_mem>>) src(%arg8 : memref<128x256xf32, #tpu.memory_space<vmem>>) dst(%dma_wait3A_176 : memref<128x256xf32, #tpu.memory_space<hbm>>)
    %add3A_177 = arith.constant 448 : i32
    %add3A_178 = arith.addi %mul3A_2, %add3A_177 : i32
    %dma_wait3A_179 = arith.constant 0 : i32
    %dma_wait3A_180 = tpu.memref_slice %arg4[%add3A_178, %dma_wait3A_179] : memref<16384x256xf32, #tpu.memory_space<hbm>> -> memref<64x256xf32, #tpu.memory_space<hbm>>
    %dma_wait3A_181 = arith.constant 0 : i32
    %dma_wait3A_182 = tpu.memref_slice %arg4[%add3A_178, %dma_wait3A_181] : memref<16384x256xf32, #tpu.memory_space<hbm>> -> memref<64x256xf32, #tpu.memory_space<hbm>>
    tpu.wait_dma2 semaphore(%arg13 : memref<!tpu.dma_semaphore, #tpu.memory_space<semaphore_mem>>) src(%arg9 : memref<64x256xf32, #tpu.memory_space<vmem>>) dst(%dma_wait3A_182 : memref<64x256xf32, #tpu.memory_space<hbm>>)
    return
  }
}

</mosaic_0001>

<sc_bundles>
// kernel: kernel.3.cloned.1.call-start
scs
__scs_entry_jumppad:
0x0: {  	(pc) =	sbr.rel $0x88, $3  }
0x1: {  	(tag) =	ssettag $0x0;
	lr =	simm.s32 $0x1  }
0x2: {  	[smem:$0x3F9F] =	sst lr;
	_ =	strace $0xD0000000  }
0x3: {  	_ = 	snop  }
0x4: {  	_ = 	snop  }
0x5: {  	_ = 	snop  }
0x6: {  	_ = 	snop  }
0x7: {  	_ = 	snop  }
__scs_overlays_trampoline_lowered:
0x8: {  	[smem:$0x3FAE] =	sst s0  }
0x9: {  	[smem:$0x3FAF] =	sst s1  }
0xa: {  	[smem:$0x3FB0] =	sst s2  }
0xb: {  	[smem:$0x3FB1] =	sst s3  }
0xc: {  	[smem:$0x3FB2] =	sst s4  }
0xd: {  	[smem:$0x3FB3] =	sst s5  }
0xe: {  	[smem:$0x3FB4] =	sst s6  }
0xf: {  	[smem:$0x3FB5] =	sst s7  }
0x10: {  	[smem:$0x3FB6] =	sst s8  }
0x11: {  	[smem:$0x3FB7] =	sst s9;
	s0 =	simm.s32 @!p0 $0x0  }
0x12: {  	s1 =	sld [smem:$0x3F9D];
	s0 =	simm.s32 @p0 $0x1  }
0x13: {  	[smem:$0x3FB8] =	sst s0;
	s0 =	simm.s32 @!p1 $0x0  }
0x14: {  	s2 =	sld [smem:$0x3F9C];
	s0 =	simm.s32 @p1 $0x1  }
0x15: {  	[smem:$0x3FB9] =	sst s0;
	s0 =	simm.s32 @!p2 $0x0  }
0x16: {  	s3 =	sld [smem:$0x3FDB];
	s0 =	simm.s32 @p2 $0x1  }
0x17: {  	s4 =	simm.s32 $0x1BF5;
	[smem:$0x3FBB] =	sst s0  }
0x18: {  	s0 =	sld [smem:$0x3F9E];
	_ =	swait.ge [sflag:s4], $0x0  }
0x19: {  	s7 =	sld [smem:$0x3F9F]  }
0x1a: {  	s8 =	sadd.s32 $0xFFFFE003, lr  }
0x1b: {  	s9 =	sadd.s32 $0xFFFFFEF7, lr;
	s5 =	simm.s32 $0xFFFFFFFF;
	p2 =	slt.u32 s8, $0xFFFFF086  }
0x1c: {  	p1 =	slt.u32 s9, $0xF7A;
	s5 =	simm.s32 @!p2 $0x0  }
0x1d: {  	s5 =	simm.s32 @p1 $0x1;
	p0 =	seq.s32 s7, s2  }
0x1e: {  	s7 =	smul.u32 @!p0 $0xF7A, s2;
	p2 =	seq.s32 @!p0 s5, $0x0  }
0x1f: {  	s9 =	smul.u32 $0xF7A, s1;
	s8 =	simm.s32 @!p0 $0x1BF5;
	p2 =	por !p2, p0  }
0x20: {  	[sflag:s8] =	ssyncset.s32 @!p0 $0xFFFFF086;
	s6 =	sadd.s32 @!p0 s3, s7;
	s7 =	simm.s32 @!p0 $0x108  }
0x21: {  	s3 =	sadd.s32 s3, s9;
	s6 =	sadd.s32 @!p0 $0x88, s6;
	s7 =	simm.s32 @p2 $0x1082  }
0x22: {  	[simem:s7], [sflag:s8] =	dma.local @!p0 [hbm:s6], $0xF7A  }
0x23: {  	s9 =	sor.u32 $0xD0000000, s2;
	s6 =	simm.s32 $0x108;
	_ =	swait.ge @!p0 [sflag:s8], $0x0  }
0x24: {  	s3 =	sadd.s32 $0x88, s3;
	s6 =	simm.s32 @!p1 $0x1082;
	[sflag:s4] =	ssyncset.s32 $0xFFFFF086  }
0x25: {  	[simem:s6], [sflag:s4] =	dma.local [hbm:s3], $0xF7A  }
0x26: {  	[smem:$0x3F9F] =	sst s1;
	(tag) =	ssettag s2;
	_ =	strace s9  }
0x27: {  	s1 =	sld [smem:$0x3FAF]  }
0x28: {  	s2 =	sld [smem:$0x3FB0]  }
0x29: {  	s4 =	sld [smem:$0x3FB2]  }
0x2a: {  	p0 =	seq.s32 s5, $0x0;
	s5 =	sld [smem:$0x3FB3]  }
0x2b: {  	s6 =	sld [smem:$0x3FB4]  }
0x2c: {  	s7 =	sld [smem:$0x3FB5]  }
0x2d: {  	s3 =	simm.s32 $0x108;
	s8 =	sld [smem:$0x3FB6]  }
0x2e: {  	s3 =	simm.s32 @!p0 $0x1082;
	s9 =	sld [smem:$0x3FB7]  }
0x2f: {  	lr =	sadd.s32 s0, s3;
	s0 =	sld [smem:$0x3FAE]  }
0x30: {  	s3 =	sld [smem:$0x3FB1]  }
0x31: {  	[smem:$0x3FBA] =	sst s10  }
0x32: {  	s10 =	sld [smem:$0x3FB8];
	_ =	sdelay $0x3  }
0x33: {  	p0 =	seq.s32 s10, $0x1;
	s10 =	sld [smem:$0x3FBA];
	_ =	sdelay $0x3  }
0x34: {  	[smem:$0x3FBA] =	sst s10  }
0x35: {  	s10 =	sld [smem:$0x3FB9];
	_ =	sdelay $0x3  }
0x36: {  	p1 =	seq.s32 s10, $0x1;
	s10 =	sld [smem:$0x3FBA];
	_ =	sdelay $0x3  }
0x37: {  	[smem:$0x3FBA] =	sst s10  }
0x38: {  	s10 =	sld [smem:$0x3FBB]  }
0x39: {  	_ = 	snop;
	(pc) =	sbr.ind lr, $3  }
0x3a: {  	_ = 	snop  }
0x3b: {  	_ = 	snop  }
0x3c: {  	p2 =	seq.s32 s10, $0x1;
	s10 =	sld [smem:$0x3FBA]  }
0x3d: {  	_ =	shalt  }
0x3e: {  	_ =	shalt  }
0x3f: {  	_ =	shalt  }
0x40: {  	_ =	shalt  }
0x41: {  	_ =	shalt  }
0x42: {  	_ =	shalt  }
0x43: {  	_ =	shalt  }
0x44: {  	_ =	shalt  }
0x45: {  	_ =	shalt  }
0x46: {  	_ =	shalt  }
0x47: {  	_ =	shalt  }
0x48: {  	_ =	shalt  }
0x49: {  	_ =	shalt  }
0x4a: {  	_ =	shalt  }
0x4b: {  	_ =	shalt  }
0x4c: {  	_ =	shalt  }
0x4d: {  	_ =	shalt  }
0x4e: {  	_ =	shalt  }
0x4f: {  	_ =	shalt  }
0x50: {  	_ =	shalt  }
0x51: {  	_ =	shalt  }
0x52: {  	_ =	shalt  }
0x53: {  	_ =	shalt  }
0x54: {  	_ =	shalt  }
0x55: {  	_ =	shalt  }
0x56: {  	_ =	shalt  }
0x57: {  	_ =	shalt  }
0x58: {  	_ =	shalt  }
0x59: {  	_ =	shalt  }
0x5a: {  	_ =	shalt  }
0x5b: {  	_ =	shalt  }
0x5c: {  	_ =	shalt  }
0x5d: {  	_ =	shalt  }
0x5e: {  	_ =	shalt  }
0x5f: {  	_ =	shalt  }
0x60: {  	_ =	shalt  }
0x61: {  	_ =	shalt  }
0x62: {  	_ =	shalt  }
0x63: {  	_ =	shalt  }
0x64: {  	_ =	shalt  }
0x65: {  	_ =	shalt  }
0x66: {  	_ =	shalt  }
0x67: {  	_ =	shalt  }
0x68: {  	_ =	shalt  }
0x69: {  	_ =	shalt  }
0x6a: {  	_ =	shalt  }
0x6b: {  	_ =	shalt  }
0x6c: {  	_ =	shalt  }
0x6d: {  	_ =	shalt  }
0x6e: {  	_ =	shalt  }
0x6f: {  	_ =	shalt  }
0x70: {  	_ =	shalt  }
0x71: {  	_ =	shalt  }
0x72: {  	_ =	shalt  }
0x73: {  	_ =	shalt  }
0x74: {  	_ =	shalt  }
0x75: {  	_ =	shalt  }
0x76: {  	_ =	shalt  }
0x77: {  	_ =	shalt  }
0x78: {  	_ =	shalt  }
0x79: {  	_ =	shalt  }
0x7a: {  	_ =	shalt  }
0x7b: {  	_ =	shalt  }
0x7c: {  	_ =	shalt  }
0x7d: {  	_ =	shalt  }
0x7e: {  	_ =	shalt  }
0x7f: {  	_ =	shalt  }
0x80: {  	_ =	shalt  }
0x81: {  	_ =	shalt  }
0x82: {  	_ =	shalt  }
0x83: {  	_ =	shalt  }
0x84: {  	_ =	shalt  }
0x85: {  	_ =	shalt  }
0x86: {  	_ =	shalt  }
0x87: {  	_ =	shalt  }
.Lfunc_end0:
.L_simem_size_0:
called_computation_lowered:
.L_overlay_start_0:
0x88: {  	s2 =	sld [smem:$0x3FD9]  }
0x89: {  	s3 =	sld [smem:$0x3FFE];
	_ =	sdelay $0x1  }
0x8a: {  	s1 =	srdreg.scid  }
0x8b: {  	s0 =	sand.u32 $0x1, s1  }
0x8c: {  	s18 =	sshll.u32 s0, $0xA;
	s2 =	sadd.s32 s3, s2  }
0x8d: {  	s2 =	sadd.s32 s2, s18  }
0x8e: {  	[smem:$0x3FC6] =	sst s2  }
0x8f: {  	_ = 	snop  }
0x90: {  	s2 =	sld [smem:$0x3FC9]  }
0x91: {  	s19 =	sld [smem:$0x3FC8]  }
0x92: {  	s4 =	sld [smem:$0x3FD0];
	(tm) =	ssettm $0x1  }
0x93: {  	s5 =	sld [smem:$0x3FFB];
	_ =	sdelay $0x3  }
0x94: {  	_ =	strace s5  }
0x95: {  	s5 =	sld [smem:$0x3FFC];
	_ =	sdelay $0x3  }
0x96: {  	_ =	strace s5  }
0x97: {  	s5 =	sld [smem:$0x3FFD];
	_ =	sdelay $0x3  }
0x98: {  	_ =	strace s5  }
0x99: {  	_ =	strace $0x8FFFFFFF  }
0x9a: {  	s20 =	sld [smem:$0x3FDB];
	_ =	sdelay $0x1  }
0x9b: {  	s6 =	simm.s32 $_scs_section_size  }
0x9c: {  	s7 =	simm.s32 $_size__tile_overlayer_lowered;
	s8 =	simm.s32 $_tile_overlayer_lowered  }
0x9d: {  	s23 =	simm.s32 $0x1BFF;
	s22 =	sshll.u32 s8, $0x1;
	s5 =	sadd.s32 s6, s20  }
0x9e: {  	s9 =	simm.s32 $0x0;
	s21 =	sshll.u32 s7, $0x1;
	s7 =	sadd.s32 s22, s5  }
0x9f: {  	[timem:s9], [sflag:s23] =	dma.local [hbm:s7], s21  }
0xa0: {  	_ =	swait.ge [sflag:s23], s21  }
0xa1: {  	s6 =	ssub.s32 $0x0, s21;
	[sflag:s23] =	ssyncset.done $0x0  }
0xa2: {  	[sflag:s23] =	ssyncadd.s32 s6;
	_ =	sdelay $0x1  }
0xa3: {  	s24 =	simm.s32 $0x1B8B  }
0xa4: {  	_ =	swait.ge [sflag:s24], $0x1  }
0xa5: {  	[sflag:s24] =	ssyncset.done $0x0  }
0xa6: {  	s25 =	simm.s32 $0x1B8E;
	[sflag:s24] =	ssyncadd.s32 $0xFFFFFFFF  }
0xa7: {  	s26 =	simm.s32 $execute0_lowered;
	[smem:$0x3FD2] =	sst s25  }
0xa8: {  	s6 =	sshll.u32 s26, $0x1;
	_ =	strace $0x80000046;
	[dreg:$0x1] =	wrdreg $0xFFFFFFFF  }
0xa9: {  	s28 =	simm.s32 $_size_execute0_lowered;
	s5 =	sadd.s32 s5, s6;
	[dreg:$0x0] =	wrdreg $0x0  }
0xaa: {  	s6 =	sshll.u32 s28, $0x1;
	[dreg:$0x2] =	wrdreg s5  }
0xab: {  	[dreg:$0x3] =	wrdreg s6  }
0xac: {  	[dreg:$0x4] =	wrdreg $0xC0  }
0xad: {  	_ =	task [dreg:s9], $0x5FFFF  }
0xae: {  	[dreg:$0x1] =	wrdreg $0xFFFFFFFF  }
0xaf: {  	[dreg:$0x0] =	wrdreg $0x60  }
0xb0: {  	[dreg:$0x2] =	wrdreg s2  }
0xb1: {  	[dreg:$0x3] =	wrdreg s19  }
0xb2: {  	[dreg:$0x4] =	wrdreg s4  }
0xb3: {  	[dreg:$0x5] =	wrdreg $0x9  }
0xb4: {  	_ =	task.clear_ibuf [dreg:s9], $0x6FFFF;
	_ =	strace $0x90000046  }
0xb5: {  	s29 =	simm.s32 $0x9;
	_ =	strace $0x80000048  }
0xb6: {  	_ =	swait.ge [sflag:s29], $0x1  }
0xb7: {  	[sflag:s29] =	ssyncadd.s32 $0xFFFFFFFF  }
0xb8: {  	_ =	strace $0x90000048  }
0xb9: {  	_ =	sfence  }
0xba: {  	s30 =	sld [smem:$0x0];
	_ =	sdelay $0x2  }
0xbb: {  	s31 =	sshll.u32 s1, $0xD;
	s1 =	sshrl.u32 s1, $0x2  }
0xbc: {  	s3 =	sand.u32 $0x4000, s31;
	s1 =	sadd.s32 s1, s30  }
0xbd: {  	s0 =	sor.u32 s3, s0;
	s1 =	sshll.u32 s1, $0x11  }
0xbe: {  	s0 =	sor.u32 s1, s0  }
0xbf: {  	s0 =	sadd.s32 $0x8F2B, s0  }
0xc0: {  	[sflag:s0] =	ssyncadd.remote.s32 $0x1  }
0xc1: {  	_ =	sfence.sel $0xFFFF  }
0xc2: {  	[dreg:$0x0] =	wrdreg $0xFFFFFFFF;
	(pc) =	sbr.abs _section_cstart, $3  }
0xc3: {  	[dreg:$0x1] =	wrdreg $0xFFFFFFFF  }
0xc4: {  	_ =	task.clear_ibuf [dreg:s9], $0x2FFFF;
	_ =	strace $0x9FFFFFFF  }
0xc5: {  	(tm) =	ssettm $0x7FFFFFFF  }
tec
execute0_lowered:
.L_overlay_start_1:
0x0: {  	(tag) =	ssettag $0x1  }
0x1: {  	s1 =	srdreg.scid;
	s0 =	stileid.u32  }
0x2: {  	s1 =	sand.u32 $0x1, s1;
	s2 =	sshll.u32 s0, $0x1  }
0x3: {  	s5 =	sor.u32 s1, s2  }
0x4: {  	p1 =	seq.s32 s1, $0x1;
	p0 =	seq.s32 s5, $0x0  }
0x5: {  	p0 =	por !p0, !p1  }
0x6: {  	s2 =	simm.s32 $0x1;
	p0 =	por !p0, !p0  }
0x7: {  	s2 =	simm.s32 @!p0 $0x0  }
0x8: {  	s4 =	rddreg [dreg:$0x0];
	s2 =	ssub.s32 s0, s2  }
0x9: {  	s26 =	rddreg [dreg:$0x2];
	s6 =	sshll.u32 s1, $0xC;
	s3 =	sshll.u32 s2, $0xA  }
0xa: {  	s5 =	sshll.u32 s5, $0xE;
	s7 =	sshll.u32 s2, $0x7;
	s3 =	sand.u32 $0xFFFFE000, s3  }
0xb: {  	s5 =	sadd.s32 s26, s5;
	s25 =	sand.u32 $0x380, s7;
	s3 =	sor.u32 s6, s3  }
0xc: {  	s2 =	rddreg [dreg:$0x1];
	s6 =	sor.u32 s25, s3;
	s3 =	simm.s32 $0x0  }
0xd: {  	s0 =	sadd.s32 $0x3000, s5;
	[smem:$0x7FF] =	sst s3  }
0xe: {  	s7 =	sadd.s32 $0x1000, s5;
	_ =	strace $0x80000047;
	[dreg:$0x5] =	wrdreg s0  }
0xf: {  	s8 =	sadd.s32 $0x2000, s5;
	[dreg:$0x6] =	wrdreg s7  }
0x10: {  	s9 =	sadd.s32 $0x3800, s5;
	[dreg:$0x7] =	wrdreg s8  }
0x11: {  	s10 =	simm.s32 $0x400;
	[dreg:$0x8] =	wrdreg s9  }
0x12: {  	s11 =	simm.s32 $0xA00;
	[dreg:$0x9] =	wrdreg s10  }
0x13: {  	s12 =	simm.s32 $0x1200;
	[dreg:$0xa] =	wrdreg s11  }
0x14: {  	s13 =	simm.s32 $0x1A00;
	[dreg:$0xb] =	wrdreg s12  }
0x15: {  	s14 =	simm.s32 $0x2200;
	[dreg:$0xc] =	wrdreg s13  }
0x16: {  	s15 =	simm.s32 $0x2A00;
	[dreg:$0xd] =	wrdreg s14  }
0x17: {  	s16 =	simm.s32 $0x3200;
	[dreg:$0xe] =	wrdreg s15  }
0x18: {  	s17 =	simm.s32 $0x3A00;
	[dreg:$0xf] =	wrdreg s16  }
0x19: {  	s18 =	simm.s32 $0x4200;
	[dreg:$0x10] =	wrdreg s17  }
0x1a: {  	s19 =	simm.s32 $0x4A00;
	[dreg:$0x11] =	wrdreg s18  }
0x1b: {  	s20 =	simm.s32 $0x5200;
	[dreg:$0x12] =	wrdreg s19  }
0x1c: {  	s21 =	simm.s32 $0x5A00;
	[dreg:$0x13] =	wrdreg s20  }
0x1d: {  	s22 =	simm.s32 $0x6200;
	[dreg:$0x14] =	wrdreg s21  }
0x1e: {  	s23 =	simm.s32 $0x6A00;
	[dreg:$0x15] =	wrdreg s22  }
0x1f: {  	s24 =	simm.s32 $0x7200;
	[dreg:$0x16] =	wrdreg s23  }
0x20: {  	s25 =	simm.s32 $0x7A00;
	[dreg:$0x17] =	wrdreg s24  }
0x21: {  	s26 =	simm.s32 $0x8A00;
	[dreg:$0x18] =	wrdreg s25  }
0x22: {  	[dreg:$0x19] =	wrdreg s26;
	s0 =	simm.s32 $0x9200  }
0x23: {  	s7 =	simm.s32 $0x9A00;
	[dreg:$0x1a] =	wrdreg s0  }
0x24: {  	s8 =	simm.s32 $0xA200;
	[dreg:$0x1b] =	wrdreg s7  }
0x25: {  	s9 =	simm.s32 $0xAA00;
	[dreg:$0x1c] =	wrdreg s8  }
0x26: {  	s10 =	simm.s32 $0xB200;
	[dreg:$0x1d] =	wrdreg s9  }
0x27: {  	s11 =	simm.s32 $0xBA00;
	[dreg:$0x1e] =	wrdreg s10  }
0x28: {  	s28 =	simm.s32 $0x1B200;
	s12 =	simm.s32 $0xC200;
	[dreg:$0x1f] =	wrdreg s11  }
0x29: {  	s29 =	simm.s32 $0x1BA00;
	s13 =	simm.s32 $0xCA00;
	[smem:$0x7EF] =	sst s12  }
0x2a: {  	s30 =	simm.s32 $0x3;
	s14 =	simm.s32 $0xD200;
	[smem:$0x7F0] =	sst s13  }
0x2b: {  	s31 =	simm.s32 $0x5;
	s15 =	simm.s32 $0xDA00;
	[smem:$0x7F1] =	sst s14  }
0x2c: {  	s1 =	ssub.s32 $0x2, s1;
	s16 =	simm.s32 $0xE200;
	[smem:$0x7F2] =	sst s15  }
0x2d: {  	s6 =	sshrl.u32 s6, $0x3;
	s17 =	simm.s32 $0xEA00;
	[smem:$0x7F3] =	sst s16  }
0x2e: {  	s4 =	sadd.s32 s4, s6;
	s18 =	simm.s32 $0xF200;
	[smem:$0x7F4] =	sst s17  }
0x2f: {  	s19 =	sshrl.u32 s1, $0x1;
	s20 =	simm.s32 $0xFA00;
	[smem:$0x7F5] =	sst s18  }
0x30: {  	s21 =	simm.s32 $0x10A00;
	s22 =	simm.s32 $0x11A00;
	[smem:$0x7F6] =	sst s20  }
0x31: {  	s23 =	simm.s32 $0x12200;
	s24 =	simm.s32 $0x12A00;
	[smem:$0x7F7] =	sst s21  }
0x32: {  	s25 =	simm.s32 $0x13200;
	s26 =	simm.s32 $0x13A00;
	[smem:$0x7F9] =	sst s22  }
0x33: {  	s6 =	sadd.s32 $0x80, s4;
	s1 =	ssub.s32 s1, s19;
	[smem:$0x7FA] =	sst s23  }
0x34: {  	s8 =	simm.s32 $0x11200;
	s9 =	simm.s32 $0x200;
	[smem:$0x7FB] =	sst s24  }
0x35: {  	s10 =	simm.s32 $0x2;
	s11 =	simm.s32 $0x8200;
	[smem:$0x7FC] =	sst s25  }
0x36: {  	s12 =	simm.s32 $0x10200;
	[smem:$0x7FD] =	sst s26;
	s14 =	simm.s32 $0x14A00  }
0x37: {  	s15 =	simm.s32 $0x15200;
	s16 =	simm.s32 $0x15A00;
	s17 =	simm.s32 $0x16200  }
0x38: {  	s18 =	simm.s32 $0x16A00;
	s19 =	simm.s32 $0x17200;
	s20 =	simm.s32 $0x17A00  }
0x39: {  	s21 =	simm.s32 $0x18200;
	s22 =	simm.s32 $0x18A00;
	s23 =	simm.s32 $0x19200  }
0x3a: {  	v2 =	vlaneseq.u32;
	s24 =	simm.s32 $0x19A00;
	s25 =	simm.s32 $0x1A200;
	s26 =	simm.s32 $0x1AA00  }
0x3b: {  	vm0 =	vmmov $0xffff;
	v1 =	vshrl.u32 v2, $0x3;
	s13 =	simm.s32 $0x80;
	[dreg:$0x4] =	wrdreg s6;
	s6 =	simm.s32 $0x1  }
0x3c: {  	v0 =	vand.u32 $0x7, v2;
	v2 =	vor.u32 $0x8, v2;
	v1 =	vmul.u32 $0x8, v1;
	s7 =	smax.u32 s1, $0x1;
	[smem:$0x7F8] =	sst s8;
	s1 =	simm.s32 $0x4  }
.LBB2_1:
0x3d: {  	s0 =	rddreg [dreg:$0x4]  }
0x3e: {  	[tilespmem:s3], [sflag:$0x1] =	stream.linear.gather [hbm4b:s4+s3], $0x80, $0x38;
	[tilespmem:$0x1C200] =	vst v63  }
0x3f: {  	s8 =	rddreg [dreg:$0x9]  }
0x40: {  	[tilespmem:s13], [sflag:$0x2] =	stream.strided.gather [hbm4b:s0+s13], $0x180, s8, s13, $0x38;
	[tilespmem:$0x1C200] =	vst v63  }
0x41: {  	_ =	swait.ge [sflag:s6], $0x80  }
0x42: {  	[sflag:s6] =	ssyncset.done $0x0  }
0x43: {  	[sflag:s6] =	ssyncadd.s32 $0xFFFFFF80  }
0x44: {  	v3 =	vld [tilespmem:$0x0];
	_ =	sdelay $0x4  }
0x45: {  	v4 =	vshll.u32 v3, $0x1  }
0x46: {  	v3 =	vand.u32 $0x7, v3;
	v4 =	vand.u32 $0xFFFFFFF0, v4  }
0x47: {  	v3 =	vor.u32 v3, v4  }
0x48: {  	v4 =	vperm.xlane v3, v0;
	_ =	sdelay $0x1  }
0x49: {  	v3 =	vperm.xlane v3, v2;
	v4 =	vadd.s32 v1, v4;
	_ =	sdelay $0x1  }
0x4a: {  	v3 =	vadd.s32 v1, v3;
	_ =	sdelay $0x2  }
0x4b: {  	[tilespmem:s9], [sflag:$0x3] =	stream.indirect_vreg.gather [hbm4b:s2+s3], $0x80, v4, vm0, $0xb8;
	[tilespmem:$0x1C200] =	vst v63  }
0x4c: {  	s8 =	rddreg [dreg:$0xa]  }
0x4d: {  	[tilespmem:s8], [sflag:$0x3] =	stream.indirect_vreg.gather [hbm4b:s2+s3], $0x80, v3, vm0, $0xb8;
	[tilespmem:$0x1C200] =	vst v63  }
0x4e: {  	v3 =	vld [tilespmem:$0x10];
	_ =	sdelay $0x4  }
0x4f: {  	v33 =	vshll.u32 v3, $0x1  }
0x50: {  	v3 =	vand.u32 $0x7, v3;
	v4 =	vand.u32 $0xFFFFFFF0, v33  }
0x51: {  	v3 =	vor.u32 v3, v4  }
0x52: {  	v4 =	vperm.xlane v3, v0;
	_ =	sdelay $0x1  }
0x53: {  	v3 =	vperm.xlane v3, v2;
	v4 =	vadd.s32 v1, v4;
	_ =	sdelay $0x1  }
0x54: {  	v3 =	vadd.s32 v1, v3;
	_ =	sdelay $0x1  }
0x55: {  	s0 =	rddreg [dreg:$0xb]  }
0x56: {  	[tilespmem:s0], [sflag:$0x3] =	stream.indirect_vreg.gather [hbm4b:s2+s3], $0x80, v4, vm0, $0xb8;
	[tilespmem:$0x1C200] =	vst v63  }
0x57: {  	s8 =	rddreg [dreg:$0xc]  }
0x58: {  	[tilespmem:s8], [sflag:$0x3] =	stream.indirect_vreg.gather [hbm4b:s2+s3], $0x80, v3, vm0, $0xb8;
	[tilespmem:$0x1C200] =	vst v63  }
0x59: {  	v3 =	vld [tilespmem:$0x20];
	_ =	sdelay $0x4  }
0x5a: {  	v34 =	vshll.u32 v3, $0x1  }
0x5b: {  	v3 =	vand.u32 $0x7, v3;
	v4 =	vand.u32 $0xFFFFFFF0, v34  }
0x5c: {  	v3 =	vor.u32 v3, v4  }
0x5d: {  	v4 =	vperm.xlane v3, v0;
	_ =	sdelay $0x1  }
0x5e: {  	v3 =	vperm.xlane v3, v2;
	v4 =	vadd.s32 v1, v4;
	_ =	sdelay $0x1  }
0x5f: {  	v3 =	vadd.s32 v1, v3;
	_ =	sdelay $0x1  }
0x60: {  	s0 =	rddreg [dreg:$0xd]  }
0x61: {  	[tilespmem:s0], [sflag:$0x3] =	stream.indirect_vreg.gather [hbm4b:s2+s3], $0x80, v4, vm0, $0xb8;
	[tilespmem:$0x1C200] =	vst v63  }
0x62: {  	s8 =	rddreg [dreg:$0xe]  }
0x63: {  	[tilespmem:s8], [sflag:$0x3] =	stream.indirect_vreg.gather [hbm4b:s2+s3], $0x80, v3, vm0, $0xb8;
	[tilespmem:$0x1C200] =	vst v63  }
0x64: {  	v3 =	vld [tilespmem:$0x30];
	_ =	sdelay $0x4  }
0x65: {  	v35 =	vshll.u32 v3, $0x1  }
0x66: {  	v3 =	vand.u32 $0x7, v3;
	v4 =	vand.u32 $0xFFFFFFF0, v35  }
0x67: {  	v3 =	vor.u32 v3, v4  }
0x68: {  	v4 =	vperm.xlane v3, v0;
	_ =	sdelay $0x1  }
0x69: {  	v3 =	vperm.xlane v3, v2;
	v4 =	vadd.s32 v1, v4;
	_ =	sdelay $0x1  }
0x6a: {  	v3 =	vadd.s32 v1, v3;
	_ =	sdelay $0x1  }
0x6b: {  	s0 =	rddreg [dreg:$0xf]  }
0x6c: {  	[tilespmem:s0], [sflag:$0x3] =	stream.indirect_vreg.gather [hbm4b:s2+s3], $0x80, v4, vm0, $0xb8;
	[tilespmem:$0x1C200] =	vst v63  }
0x6d: {  	s8 =	rddreg [dreg:$0x10]  }
0x6e: {  	[tilespmem:s8], [sflag:$0x3] =	stream.indirect_vreg.gather [hbm4b:s2+s3], $0x80, v3, vm0, $0xb8;
	[tilespmem:$0x1C200] =	vst v63  }
0x6f: {  	v3 =	vld [tilespmem:$0x40];
	_ =	sdelay $0x4  }
0x70: {  	v36 =	vshll.u32 v3, $0x1  }
0x71: {  	v3 =	vand.u32 $0x7, v3;
	v4 =	vand.u32 $0xFFFFFFF0, v36  }
0x72: {  	v3 =	vor.u32 v3, v4  }
0x73: {  	v4 =	vperm.xlane v3, v0;
	_ =	sdelay $0x1  }
0x74: {  	v3 =	vperm.xlane v3, v2;
	v4 =	vadd.s32 v1, v4;
	_ =	sdelay $0x1  }
0x75: {  	v3 =	vadd.s32 v1, v3;
	_ =	sdelay $0x1  }
0x76: {  	s0 =	rddreg [dreg:$0x11]  }
0x77: {  	[tilespmem:s0], [sflag:$0x3] =	stream.indirect_vreg.gather [hbm4b:s2+s3], $0x80, v4, vm0, $0xb8;
	[tilespmem:$0x1C200] =	vst v63  }
0x78: {  	s8 =	rddreg [dreg:$0x12]  }
0x79: {  	[tilespmem:s8], [sflag:$0x3] =	stream.indirect_vreg.gather [hbm4b:s2+s3], $0x80, v3, vm0, $0xb8;
	[tilespmem:$0x1C200] =	vst v63  }
0x7a: {  	v3 =	vld [tilespmem:$0x50];
	_ =	sdelay $0x4  }
0x7b: {  	v37 =	vshll.u32 v3, $0x1  }
0x7c: {  	v3 =	vand.u32 $0x7, v3;
	v4 =	vand.u32 $0xFFFFFFF0, v37  }
0x7d: {  	v3 =	vor.u32 v3, v4  }
0x7e: {  	v4 =	vperm.xlane v3, v0;
	_ =	sdelay $0x1  }
0x7f: {  	v3 =	vperm.xlane v3, v2;
	v4 =	vadd.s32 v1, v4;
	_ =	sdelay $0x1  }
0x80: {  	v3 =	vadd.s32 v1, v3;
	_ =	sdelay $0x1  }
0x81: {  	s0 =	rddreg [dreg:$0x13]  }
0x82: {  	[tilespmem:s0], [sflag:$0x3] =	stream.indirect_vreg.gather [hbm4b:s2+s3], $0x80, v4, vm0, $0xb8;
	[tilespmem:$0x1C200] =	vst v63  }
0x83: {  	s8 =	rddreg [dreg:$0x14]  }
0x84: {  	[tilespmem:s8], [sflag:$0x3] =	stream.indirect_vreg.gather [hbm4b:s2+s3], $0x80, v3, vm0, $0xb8;
	[tilespmem:$0x1C200] =	vst v63  }
0x85: {  	v3 =	vld [tilespmem:$0x60];
	_ =	sdelay $0x4  }
0x86: {  	v38 =	vshll.u32 v3, $0x1  }
0x87: {  	v3 =	vand.u32 $0x7, v3;
	v4 =	vand.u32 $0xFFFFFFF0, v38  }
0x88: {  	v3 =	vor.u32 v3, v4  }
0x89: {  	v4 =	vperm.xlane v3, v0;
	_ =	sdelay $0x1  }
0x8a: {  	v3 =	vperm.xlane v3, v2;
	v4 =	vadd.s32 v1, v4;
	_ =	sdelay $0x1  }
0x8b: {  	v3 =	vadd.s32 v1, v3;
	_ =	sdelay $0x1  }
0x8c: {  	s0 =	rddreg [dreg:$0x15]  }
0x8d: {  	[tilespmem:s0], [sflag:$0x3] =	stream.indirect_vreg.gather [hbm4b:s2+s3], $0x80, v4, vm0, $0xb8;
	[tilespmem:$0x1C200] =	vst v63  }
0x8e: {  	s8 =	rddreg [dreg:$0x16]  }
0x8f: {  	[tilespmem:s8], [sflag:$0x3] =	stream.indirect_vreg.gather [hbm4b:s2+s3], $0x80, v3, vm0, $0xb8;
	[tilespmem:$0x1C200] =	vst v63  }
0x90: {  	v3 =	vld [tilespmem:$0x70];
	_ =	sdelay $0x4  }
0x91: {  	v39 =	vshll.u32 v3, $0x1  }
0x92: {  	v3 =	vand.u32 $0x7, v3;
	v4 =	vand.u32 $0xFFFFFFF0, v39  }
0x93: {  	v3 =	vor.u32 v3, v4  }
0x94: {  	v4 =	vperm.xlane v3, v0;
	_ =	sdelay $0x1  }
0x95: {  	v3 =	vperm.xlane v3, v2;
	v4 =	vadd.s32 v1, v4;
	_ =	sdelay $0x1  }
0x96: {  	v3 =	vadd.s32 v1, v3;
	_ =	sdelay $0x1  }
0x97: {  	s0 =	rddreg [dreg:$0x17]  }
0x98: {  	[tilespmem:s0], [sflag:$0x3] =	stream.indirect_vreg.gather [hbm4b:s2+s3], $0x80, v4, vm0, $0xb8;
	[tilespmem:$0x1C200] =	vst v63  }
0x99: {  	s8 =	rddreg [dreg:$0x18]  }
0x9a: {  	[tilespmem:s8], [sflag:$0x3] =	stream.indirect_vreg.gather [hbm4b:s2+s3], $0x80, v3, vm0, $0xb8;
	[tilespmem:$0x1C200] =	vst v63  }
0x9b: {  	_ =	swait.ge [sflag:s10], $0x180  }
0x9c: {  	[sflag:s10] =	ssyncset.done $0x0  }
0x9d: {  	[sflag:s10] =	ssyncadd.s32 $0xFFFFFE80  }
0x9e: {  	v3 =	vld [tilespmem:$0x80];
	_ =	sdelay $0x4  }
0x9f: {  	v40 =	vshll.u32 v3, $0x1  }
0xa0: {  	v3 =	vand.u32 $0x7, v3;
	v4 =	vand.u32 $0xFFFFFFF0, v40  }
0xa1: {  	v3 =	vor.u32 v3, v4  }
0xa2: {  	v4 =	vperm.xlane v3, v0;
	_ =	sdelay $0x1  }
0xa3: {  	v3 =	vperm.xlane v3, v2;
	v4 =	vadd.s32 v1, v4;
	_ =	sdelay $0x1  }
0xa4: {  	v3 =	vadd.s32 v1, v3;
	_ =	sdelay $0x2  }
0xa5: {  	[tilespmem:s11], [sflag:$0x3] =	stream.indirect_vreg.gather [hbm4b:s2+s3], $0x80, v4, vm0, $0xb8;
	[tilespmem:$0x1C200] =	vst v63  }
0xa6: {  	s8 =	rddreg [dreg:$0x19]  }
0xa7: {  	[tilespmem:s8], [sflag:$0x3] =	stream.indirect_vreg.gather [hbm4b:s2+s3], $0x80, v3, vm0, $0xb8;
	[tilespmem:$0x1C200] =	vst v63  }
0xa8: {  	v3 =	vld [tilespmem:$0x90];
	_ =	sdelay $0x4  }
0xa9: {  	v41 =	vshll.u32 v3, $0x1  }
0xaa: {  	v3 =	vand.u32 $0x7, v3;
	v4 =	vand.u32 $0xFFFFFFF0, v41  }
0xab: {  	v3 =	vor.u32 v3, v4  }
0xac: {  	v4 =	vperm.xlane v3, v0;
	_ =	sdelay $0x1  }
0xad: {  	v3 =	vperm.xlane v3, v2;
	v4 =	vadd.s32 v1, v4;
	_ =	sdelay $0x1  }
0xae: {  	v3 =	vadd.s32 v1, v3;
	_ =	sdelay $0x1  }
0xaf: {  	s0 =	rddreg [dreg:$0x1a]  }
0xb0: {  	[tilespmem:s0], [sflag:$0x3] =	stream.indirect_vreg.gather [hbm4b:s2+s3], $0x80, v4, vm0, $0xb8;
	[tilespmem:$0x1C200] =	vst v63  }
0xb1: {  	s8 =	rddreg [dreg:$0x1b]  }
0xb2: {  	[tilespmem:s8], [sflag:$0x3] =	stream.indirect_vreg.gather [hbm4b:s2+s3], $0x80, v3, vm0, $0xb8;
	[tilespmem:$0x1C200] =	vst v63  }
0xb3: {  	v3 =	vld [tilespmem:$0xA0];
	_ =	sdelay $0x4  }
0xb4: {  	v42 =	vshll.u32 v3, $0x1  }
0xb5: {  	v3 =	vand.u32 $0x7, v3;
	v4 =	vand.u32 $0xFFFFFFF0, v42  }
0xb6: {  	v3 =	vor.u32 v3, v4  }
0xb7: {  	v4 =	vperm.xlane v3, v0;
	_ =	sdelay $0x1  }
0xb8: {  	v3 =	vperm.xlane v3, v2;
	v4 =	vadd.s32 v1, v4;
	_ =	sdelay $0x1  }
0xb9: {  	v3 =	vadd.s32 v1, v3;
	_ =	sdelay $0x1  }
0xba: {  	s0 =	rddreg [dreg:$0x1c]  }
0xbb: {  	[tilespmem:s0], [sflag:$0x3] =	stream.indirect_vreg.gather [hbm4b:s2+s3], $0x80, v4, vm0, $0xb8;
	[tilespmem:$0x1C200] =	vst v63  }
0xbc: {  	s8 =	rddreg [dreg:$0x1d]  }
0xbd: {  	[tilespmem:s8], [sflag:$0x3] =	stream.indirect_vreg.gather [hbm4b:s2+s3], $0x80, v3, vm0, $0xb8;
	[tilespmem:$0x1C200] =	vst v63  }
0xbe: {  	v3 =	vld [tilespmem:$0xB0];
	_ =	sdelay $0x4  }
0xbf: {  	v43 =	vshll.u32 v3, $0x1  }
0xc0: {  	v3 =	vand.u32 $0x7, v3;
	v4 =	vand.u32 $0xFFFFFFF0, v43  }
0xc1: {  	v3 =	vor.u32 v3, v4  }
0xc2: {  	v4 =	vperm.xlane v3, v0;
	_ =	sdelay $0x1  }
0xc3: {  	v3 =	vperm.xlane v3, v2;
	v4 =	vadd.s32 v1, v4;
	_ =	sdelay $0x1  }
0xc4: {  	v3 =	vadd.s32 v1, v3;
	_ =	sdelay $0x1  }
0xc5: {  	s0 =	rddreg [dreg:$0x1e]  }
0xc6: {  	[tilespmem:s0], [sflag:$0x3] =	stream.indirect_vreg.gather [hbm4b:s2+s3], $0x80, v4, vm0, $0xb8;
	[tilespmem:$0x1C200] =	vst v63  }
0xc7: {  	s8 =	rddreg [dreg:$0x1f]  }
0xc8: {  	[tilespmem:s8], [sflag:$0x3] =	stream.indirect_vreg.gather [hbm4b:s2+s3], $0x80, v3, vm0, $0xb8;
	[tilespmem:$0x1C200] =	vst v63  }
0xc9: {  	v3 =	vld [tilespmem:$0xC0];
	_ =	sdelay $0x4  }
0xca: {  	v44 =	vshll.u32 v3, $0x1  }
0xcb: {  	v3 =	vand.u32 $0x7, v3;
	v4 =	vand.u32 $0xFFFFFFF0, v44  }
0xcc: {  	v3 =	vor.u32 v3, v4  }
0xcd: {  	v4 =	vperm.xlane v3, v0;
	_ =	sdelay $0x1  }
0xce: {  	v3 =	vperm.xlane v3, v2;
	v4 =	vadd.s32 v1, v4;
	_ =	sdelay $0x1  }
0xcf: {  	s0 =	sld [smem:$0x7EF];
	v3 =	vadd.s32 v1, v3;
	_ =	sdelay $0x1  }
0xd0: {  	s8 =	sld [smem:$0x7F0]  }
0xd1: {  	[tilespmem:s0], [sflag:$0x3] =	stream.indirect_vreg.gather [hbm4b:s2+s3], $0x80, v4, vm0, $0xb8;
	[tilespmem:$0x1C200] =	vst v63  }
0xd2: {  	_ = 	snop  }
0xd3: {  	[tilespmem:s8], [sflag:$0x3] =	stream.indirect_vreg.gather [hbm4b:s2+s3], $0x80, v3, vm0, $0xb8;
	[tilespmem:$0x1C200] =	vst v63  }
0xd4: {  	v3 =	vld [tilespmem:$0xD0];
	_ =	sdelay $0x4  }
0xd5: {  	v45 =	vshll.u32 v3, $0x1  }
0xd6: {  	v3 =	vand.u32 $0x7, v3;
	v4 =	vand.u32 $0xFFFFFFF0, v45  }
0xd7: {  	v3 =	vor.u32 v3, v4  }
0xd8: {  	v4 =	vperm.xlane v3, v0;
	_ =	sdelay $0x1  }
0xd9: {  	v3 =	vperm.xlane v3, v2;
	v4 =	vadd.s32 v1, v4;
	_ =	sdelay $0x1  }
0xda: {  	s0 =	sld [smem:$0x7F1];
	v3 =	vadd.s32 v1, v3;
	_ =	sdelay $0x1  }
0xdb: {  	s8 =	sld [smem:$0x7F2]  }
0xdc: {  	[tilespmem:s0], [sflag:$0x3] =	stream.indirect_vreg.gather [hbm4b:s2+s3], $0x80, v4, vm0, $0xb8;
	[tilespmem:$0x1C200] =	vst v63  }
0xdd: {  	_ = 	snop  }
0xde: {  	[tilespmem:s8], [sflag:$0x3] =	stream.indirect_vreg.gather [hbm4b:s2+s3], $0x80, v3, vm0, $0xb8;
	[tilespmem:$0x1C200] =	vst v63  }
0xdf: {  	v3 =	vld [tilespmem:$0xE0];
	_ =	sdelay $0x4  }
0xe0: {  	v46 =	vshll.u32 v3, $0x1  }
0xe1: {  	v3 =	vand.u32 $0x7, v3;
	v4 =	vand.u32 $0xFFFFFFF0, v46  }
0xe2: {  	v3 =	vor.u32 v3, v4  }
0xe3: {  	v4 =	vperm.xlane v3, v0;
	_ =	sdelay $0x1  }
0xe4: {  	v3 =	vperm.xlane v3, v2;
	v4 =	vadd.s32 v1, v4;
	_ =	sdelay $0x1  }
0xe5: {  	s0 =	sld [smem:$0x7F3];
	v3 =	vadd.s32 v1, v3;
	_ =	sdelay $0x1  }
0xe6: {  	s8 =	sld [smem:$0x7F4]  }
0xe7: {  	[tilespmem:s0], [sflag:$0x3] =	stream.indirect_vreg.gather [hbm4b:s2+s3], $0x80, v4, vm0, $0xb8;
	[tilespmem:$0x1C200] =	vst v63  }
0xe8: {  	_ = 	snop  }
0xe9: {  	[tilespmem:s8], [sflag:$0x3] =	stream.indirect_vreg.gather [hbm4b:s2+s3], $0x80, v3, vm0, $0xb8;
	[tilespmem:$0x1C200] =	vst v63  }
0xea: {  	v3 =	vld [tilespmem:$0xF0];
	_ =	sdelay $0x4  }
0xeb: {  	v47 =	vshll.u32 v3, $0x1  }
0xec: {  	v3 =	vand.u32 $0x7, v3;
	v4 =	vand.u32 $0xFFFFFFF0, v47  }
0xed: {  	v3 =	vor.u32 v3, v4  }
0xee: {  	v4 =	vperm.xlane v3, v0;
	_ =	sdelay $0x1  }
0xef: {  	v3 =	vperm.xlane v3, v2;
	v4 =	vadd.s32 v1, v4;
	_ =	sdelay $0x1  }
0xf0: {  	s0 =	sld [smem:$0x7F5];
	v3 =	vadd.s32 v1, v3;
	_ =	sdelay $0x1  }
0xf1: {  	s8 =	sld [smem:$0x7F6]  }
0xf2: {  	[tilespmem:s0], [sflag:$0x3] =	stream.indirect_vreg.gather [hbm4b:s2+s3], $0x80, v4, vm0, $0xb8;
	[tilespmem:$0x1C200] =	vst v63  }
0xf3: {  	_ = 	snop  }
0xf4: {  	[tilespmem:s8], [sflag:$0x3] =	stream.indirect_vreg.gather [hbm4b:s2+s3], $0x80, v3, vm0, $0xb8;
	[tilespmem:$0x1C200] =	vst v63  }
0xf5: {  	v3 =	vld [tilespmem:$0x100];
	_ =	sdelay $0x4  }
0xf6: {  	v48 =	vshll.u32 v3, $0x1  }
0xf7: {  	v3 =	vand.u32 $0x7, v3;
	v4 =	vand.u32 $0xFFFFFFF0, v48  }
0xf8: {  	v3 =	vor.u32 v3, v4  }
0xf9: {  	v4 =	vperm.xlane v3, v0;
	_ =	sdelay $0x1  }
0xfa: {  	v3 =	vperm.xlane v3, v2;
	v4 =	vadd.s32 v1, v4;
	_ =	sdelay $0x1  }
0xfb: {  	v3 =	vadd.s32 v1, v3;
	_ =	sdelay $0x1  }
0xfc: {  	s8 =	sld [smem:$0x7F7]  }
0xfd: {  	[tilespmem:s12], [sflag:$0x3] =	stream.indirect_vreg.gather [hbm4b:s2+s3], $0x80, v4, vm0, $0xb8;
	[tilespmem:$0x1C200] =	vst v63  }
0xfe: {  	_ = 	snop  }
0xff: {  	[tilespmem:s8], [sflag:$0x3] =	stream.indirect_vreg.gather [hbm4b:s2+s3], $0x80, v3, vm0, $0xb8;
	[tilespmem:$0x1C200] =	vst v63  }
0x100: {  	v3 =	vld [tilespmem:$0x110];
	_ =	sdelay $0x4  }
0x101: {  	v49 =	vshll.u32 v3, $0x1  }
0x102: {  	v3 =	vand.u32 $0x7, v3;
	v4 =	vand.u32 $0xFFFFFFF0, v49  }
0x103: {  	v3 =	vor.u32 v3, v4  }
0x104: {  	v4 =	vperm.xlane v3, v0;
	_ =	sdelay $0x1  }
0x105: {  	v3 =	vperm.xlane v3, v2;
	v4 =	vadd.s32 v1, v4;
	_ =	sdelay $0x1  }
0x106: {  	s0 =	sld [smem:$0x7F8];
	v3 =	vadd.s32 v1, v3;
	_ =	sdelay $0x1  }
0x107: {  	s8 =	sld [smem:$0x7F9]  }
0x108: {  	[tilespmem:s0], [sflag:$0x3] =	stream.indirect_vreg.gather [hbm4b:s2+s3], $0x80, v4, vm0, $0xb8;
	[tilespmem:$0x1C200] =	vst v63  }
0x109: {  	_ = 	snop  }
0x10a: {  	[tilespmem:s8], [sflag:$0x3] =	stream.indirect_vreg.gather [hbm4b:s2+s3], $0x80, v3, vm0, $0xb8;
	[tilespmem:$0x1C200] =	vst v63  }
0x10b: {  	v3 =	vld [tilespmem:$0x120];
	_ =	sdelay $0x4  }
0x10c: {  	v50 =	vshll.u32 v3, $0x1  }
0x10d: {  	v3 =	vand.u32 $0x7, v3;
	v4 =	vand.u32 $0xFFFFFFF0, v50  }
0x10e: {  	v3 =	vor.u32 v3, v4  }
0x10f: {  	v4 =	vperm.xlane v3, v0;
	_ =	sdelay $0x1  }
0x110: {  	v3 =	vperm.xlane v3, v2;
	v4 =	vadd.s32 v1, v4;
	_ =	sdelay $0x1  }
0x111: {  	s0 =	sld [smem:$0x7FA];
	v3 =	vadd.s32 v1, v3;
	_ =	sdelay $0x1  }
0x112: {  	s8 =	sld [smem:$0x7FB]  }
0x113: {  	[tilespmem:s0], [sflag:$0x3] =	stream.indirect_vreg.gather [hbm4b:s2+s3], $0x80, v4, vm0, $0xb8;
	[tilespmem:$0x1C200] =	vst v63  }
0x114: {  	_ = 	snop  }
0x115: {  	[tilespmem:s8], [sflag:$0x3] =	stream.indirect_vreg.gather [hbm4b:s2+s3], $0x80, v3, vm0, $0xb8;
	[tilespmem:$0x1C200] =	vst v63  }
0x116: {  	v3 =	vld [tilespmem:$0x130];
	_ =	sdelay $0x4  }
0x117: {  	v51 =	vshll.u32 v3, $0x1  }
0x118: {  	v3 =	vand.u32 $0x7, v3;
	v4 =	vand.u32 $0xFFFFFFF0, v51  }
0x119: {  	v3 =	vor.u32 v3, v4  }
0x11a: {  	v4 =	vperm.xlane v3, v0;
	_ =	sdelay $0x1  }
0x11b: {  	v3 =	vperm.xlane v3, v2;
	v4 =	vadd.s32 v1, v4;
	_ =	sdelay $0x1  }
0x11c: {  	s0 =	sld [smem:$0x7FC];
	v3 =	vadd.s32 v1, v3;
	_ =	sdelay $0x1  }
0x11d: {  	s8 =	sld [smem:$0x7FD]  }
0x11e: {  	[tilespmem:s0], [sflag:$0x3] =	stream.indirect_vreg.gather [hbm4b:s2+s3], $0x80, v4, vm0, $0xb8;
	[tilespmem:$0x1C200] =	vst v63  }
0x11f: {  	_ = 	snop  }
0x120: {  	[tilespmem:s8], [sflag:$0x3] =	stream.indirect_vreg.gather [hbm4b:s2+s3], $0x80, v3, vm0, $0xb8;
	[tilespmem:$0x1C200] =	vst v63  }
0x121: {  	v3 =	vld [tilespmem:$0x140];
	_ =	sdelay $0x4  }
0x122: {  	v52 =	vshll.u32 v3, $0x1  }
0x123: {  	v3 =	vand.u32 $0x7, v3;
	v4 =	vand.u32 $0xFFFFFFF0, v52  }
0x124: {  	v3 =	vor.u32 v3, v4  }
0x125: {  	v4 =	vperm.xlane v3, v0;
	_ =	sdelay $0x1  }
0x126: {  	v3 =	vperm.xlane v3, v2;
	v4 =	vadd.s32 v1, v4;
	_ =	sdelay $0x1  }
0x127: {  	v3 =	vadd.s32 v1, v3;
	_ =	sdelay $0x1  }
0x128: {  	s8 =	simm.s32 $0x14200  }
0x129: {  	[tilespmem:s8], [sflag:$0x3] =	stream.indirect_vreg.gather [hbm4b:s2+s3], $0x80, v4, vm0, $0xb8;
	[tilespmem:$0x1C200] =	vst v63  }
0x12a: {  	_ = 	snop  }
0x12b: {  	[tilespmem:s14], [sflag:$0x3] =	stream.indirect_vreg.gather [hbm4b:s2+s3], $0x80, v3, vm0, $0xb8;
	[tilespmem:$0x1C200] =	vst v63  }
0x12c: {  	v3 =	vld [tilespmem:$0x150];
	_ =	sdelay $0x4  }
0x12d: {  	v53 =	vshll.u32 v3, $0x1  }
0x12e: {  	v3 =	vand.u32 $0x7, v3;
	v4 =	vand.u32 $0xFFFFFFF0, v53  }
0x12f: {  	v3 =	vor.u32 v3, v4  }
0x130: {  	v4 =	vperm.xlane v3, v0;
	_ =	sdelay $0x1  }
0x131: {  	v3 =	vperm.xlane v3, v2;
	v4 =	vadd.s32 v1, v4;
	_ =	sdelay $0x1  }
0x132: {  	v3 =	vadd.s32 v1, v3;
	_ =	sdelay $0x2  }
0x133: {  	[tilespmem:s15], [sflag:$0x3] =	stream.indirect_vreg.gather [hbm4b:s2+s3], $0x80, v4, vm0, $0xb8;
	[tilespmem:$0x1C200] =	vst v63  }
0x134: {  	_ = 	snop  }
0x135: {  	[tilespmem:s16], [sflag:$0x3] =	stream.indirect_vreg.gather [hbm4b:s2+s3], $0x80, v3, vm0, $0xb8;
	[tilespmem:$0x1C200] =	vst v63  }
0x136: {  	v3 =	vld [tilespmem:$0x160];
	_ =	sdelay $0x4  }
0x137: {  	v54 =	vshll.u32 v3, $0x1  }
0x138: {  	v3 =	vand.u32 $0x7, v3;
	v4 =	vand.u32 $0xFFFFFFF0, v54  }
0x139: {  	v3 =	vor.u32 v3, v4  }
0x13a: {  	v4 =	vperm.xlane v3, v0;
	_ =	sdelay $0x1  }
0x13b: {  	v3 =	vperm.xlane v3, v2;
	v4 =	vadd.s32 v1, v4;
	_ =	sdelay $0x1  }
0x13c: {  	v3 =	vadd.s32 v1, v3;
	_ =	sdelay $0x2  }
0x13d: {  	[tilespmem:s17], [sflag:$0x3] =	stream.indirect_vreg.gather [hbm4b:s2+s3], $0x80, v4, vm0, $0xb8;
	[tilespmem:$0x1C200] =	vst v63  }
0x13e: {  	_ = 	snop  }
0x13f: {  	[tilespmem:s18], [sflag:$0x3] =	stream.indirect_vreg.gather [hbm4b:s2+s3], $0x80, v3, vm0, $0xb8;
	[tilespmem:$0x1C200] =	vst v63  }
0x140: {  	v3 =	vld [tilespmem:$0x170];
	_ =	sdelay $0x4  }
0x141: {  	v55 =	vshll.u32 v3, $0x1  }
0x142: {  	v3 =	vand.u32 $0x7, v3;
	v4 =	vand.u32 $0xFFFFFFF0, v55  }
0x143: {  	v3 =	vor.u32 v3, v4  }
0x144: {  	v4 =	vperm.xlane v3, v0;
	_ =	sdelay $0x1  }
0x145: {  	v3 =	vperm.xlane v3, v2;
	v4 =	vadd.s32 v1, v4;
	_ =	sdelay $0x1  }
0x146: {  	v3 =	vadd.s32 v1, v3;
	_ =	sdelay $0x2  }
0x147: {  	[tilespmem:s19], [sflag:$0x3] =	stream.indirect_vreg.gather [hbm4b:s2+s3], $0x80, v4, vm0, $0xb8;
	[tilespmem:$0x1C200] =	vst v63  }
0x148: {  	_ = 	snop  }
0x149: {  	[tilespmem:s20], [sflag:$0x3] =	stream.indirect_vreg.gather [hbm4b:s2+s3], $0x80, v3, vm0, $0xb8;
	[tilespmem:$0x1C200] =	vst v63  }
0x14a: {  	v3 =	vld [tilespmem:$0x180];
	_ =	sdelay $0x4  }
0x14b: {  	v56 =	vshll.u32 v3, $0x1  }
0x14c: {  	v3 =	vand.u32 $0x7, v3;
	v4 =	vand.u32 $0xFFFFFFF0, v56  }
0x14d: {  	v3 =	vor.u32 v3, v4  }
0x14e: {  	v4 =	vperm.xlane v3, v0;
	_ =	sdelay $0x1  }
0x14f: {  	v3 =	vperm.xlane v3, v2;
	v4 =	vadd.s32 v1, v4;
	_ =	sdelay $0x1  }
0x150: {  	v3 =	vadd.s32 v1, v3;
	_ =	sdelay $0x2  }
0x151: {  	[tilespmem:s21], [sflag:$0x3] =	stream.indirect_vreg.gather [hbm4b:s2+s3], $0x80, v4, vm0, $0xb8;
	[tilespmem:$0x1C200] =	vst v63  }
0x152: {  	_ = 	snop  }
0x153: {  	[tilespmem:s22], [sflag:$0x3] =	stream.indirect_vreg.gather [hbm4b:s2+s3], $0x80, v3, vm0, $0xb8;
	[tilespmem:$0x1C200] =	vst v63  }
0x154: {  	v3 =	vld [tilespmem:$0x190];
	_ =	sdelay $0x4  }
0x155: {  	v57 =	vshll.u32 v3, $0x1  }
0x156: {  	v3 =	vand.u32 $0x7, v3;
	v4 =	vand.u32 $0xFFFFFFF0, v57  }
0x157: {  	v3 =	vor.u32 v3, v4  }
0x158: {  	v4 =	vperm.xlane v3, v0;
	_ =	sdelay $0x1  }
0x159: {  	v3 =	vperm.xlane v3, v2;
	v4 =	vadd.s32 v1, v4;
	_ =	sdelay $0x1  }
0x15a: {  	v3 =	vadd.s32 v1, v3;
	_ =	sdelay $0x2  }
0x15b: {  	[tilespmem:s23], [sflag:$0x3] =	stream.indirect_vreg.gather [hbm4b:s2+s3], $0x80, v4, vm0, $0xb8;
	[tilespmem:$0x1C200] =	vst v63  }
0x15c: {  	_ = 	snop  }
0x15d: {  	[tilespmem:s24], [sflag:$0x3] =	stream.indirect_vreg.gather [hbm4b:s2+s3], $0x80, v3, vm0, $0xb8;
	[tilespmem:$0x1C200] =	vst v63  }
0x15e: {  	v3 =	vld [tilespmem:$0x1A0];
	_ =	sdelay $0x4  }
0x15f: {  	v58 =	vshll.u32 v3, $0x1  }
0x160: {  	v3 =	vand.u32 $0x7, v3;
	v4 =	vand.u32 $0xFFFFFFF0, v58  }
0x161: {  	v3 =	vor.u32 v3, v4  }
0x162: {  	v4 =	vperm.xlane v3, v0;
	_ =	sdelay $0x1  }
0x163: {  	v3 =	vperm.xlane v3, v2;
	v4 =	vadd.s32 v1, v4;
	_ =	sdelay $0x1  }
0x164: {  	v3 =	vadd.s32 v1, v3;
	_ =	sdelay $0x2  }
0x165: {  	[tilespmem:s25], [sflag:$0x3] =	stream.indirect_vreg.gather [hbm4b:s2+s3], $0x80, v4, vm0, $0xb8;
	[tilespmem:$0x1C200] =	vst v63  }
0x166: {  	_ = 	snop  }
0x167: {  	[tilespmem:s26], [sflag:$0x3] =	stream.indirect_vreg.gather [hbm4b:s2+s3], $0x80, v3, vm0, $0xb8;
	[tilespmem:$0x1C200] =	vst v63  }
0x168: {  	v3 =	vld [tilespmem:$0x1B0];
	_ =	sdelay $0x4  }
0x169: {  	v59 =	vshll.u32 v3, $0x1  }
0x16a: {  	v3 =	vand.u32 $0x7, v3;
	v4 =	vand.u32 $0xFFFFFFF0, v59  }
0x16b: {  	v3 =	vor.u32 v3, v4  }
0x16c: {  	v4 =	vperm.xlane v3, v0;
	_ =	sdelay $0x1  }
0x16d: {  	v3 =	vperm.xlane v3, v2;
	v4 =	vadd.s32 v1, v4;
	_ =	sdelay $0x1  }
0x16e: {  	v3 =	vadd.s32 v1, v3;
	_ =	sdelay $0x2  }
0x16f: {  	[tilespmem:s28], [sflag:$0x3] =	stream.indirect_vreg.gather [hbm4b:s2+s3], $0x80, v4, vm0, $0xb8;
	[tilespmem:$0x1C200] =	vst v63  }
0x170: {  	_ = 	snop  }
0x171: {  	[tilespmem:s29], [sflag:$0x3] =	stream.indirect_vreg.gather [hbm4b:s2+s3], $0x80, v3, vm0, $0xb8;
	[tilespmem:$0x1C200] =	vst v63  }
0x172: {  	_ =	swait.ge [sflag:s30], $0x8000  }
0x173: {  	[sflag:s30] =	ssyncset.done $0x0  }
0x174: {  	[sflag:s30] =	ssyncadd.s32 $0xFFFF8000  }
0x175: {  	_ =	swait.ge [sflag:s30], $0x8000  }
0x176: {  	[sflag:s30] =	ssyncset.done $0x0  }
0x177: {  	[sflag:s30] =	ssyncadd.s32 $0xFFFF8000  }
0x178: {  	_ =	swait.ge [sflag:s30], $0x8000  }
0x179: {  	[sflag:s30] =	ssyncset.done $0x0  }
0x17a: {  	[sflag:s30] =	ssyncadd.s32 $0xFFFF8000  }
0x17b: {  	_ =	swait.ge [sflag:s30], $0x4000  }
0x17c: {  	[sflag:s30] =	ssyncset.done $0x0  }
0x17d: {  	s8 =	rddreg [dreg:$0x5];
	[sflag:s30] =	ssyncadd.s32 $0xFFFFC000  }
0x17e: {  	[hbm4b:s8+s3] =	stream.linear.scatter [tilespmem:s21], [sflag:$0x5], $0x4000, $0x38;
	[tilespmem:$0x1C200] =	vst v63  }
0x17f: {  	_ = 	snop  }
0x180: {  	[hbm4b:s5+s3] =	stream.linear.scatter [tilespmem:s9], [sflag:$0x4], $0x8000, $0x38;
	[tilespmem:$0x1C200] =	vst v63  }
0x181: {  	s0 =	rddreg [dreg:$0x6]  }
0x182: {  	[hbm4b:s0+s3] =	stream.linear.scatter [tilespmem:s11], [sflag:$0x4], $0x8000, $0x38;
	[tilespmem:$0x1C200] =	vst v63  }
0x183: {  	s8 =	rddreg [dreg:$0x7]  }
0x184: {  	[hbm4b:s8+s3] =	stream.linear.scatter [tilespmem:s12], [sflag:$0x4], $0x8000, $0x38;
	[tilespmem:$0x1C200] =	vst v63  }
0x185: {  	_ =	swait.ge [sflag:s31], $0x4000  }
0x186: {  	[sflag:s31] =	ssyncset.done $0x0  }
0x187: {  	[sflag:s31] =	ssyncadd.s32 $0xFFFFC000  }
0x188: {  	v3 =	vld [tilespmem:$0x1C0];
	_ =	sdelay $0x4  }
0x189: {  	v60 =	vshll.u32 v3, $0x1  }
0x18a: {  	v3 =	vand.u32 $0x7, v3;
	v4 =	vand.u32 $0xFFFFFFF0, v60  }
0x18b: {  	v3 =	vor.u32 v3, v4  }
0x18c: {  	v4 =	vperm.xlane v3, v0;
	_ =	sdelay $0x1  }
0x18d: {  	v3 =	vperm.xlane v3, v2;
	v4 =	vadd.s32 v1, v4;
	_ =	sdelay $0x1  }
0x18e: {  	v3 =	vadd.s32 v1, v3;
	_ =	sdelay $0x2  }
0x18f: {  	[tilespmem:s21], [sflag:$0x3] =	stream.indirect_vreg.gather [hbm4b:s2+s3], $0x80, v4, vm0, $0xb8;
	[tilespmem:$0x1C200] =	vst v63  }
0x190: {  	_ = 	snop  }
0x191: {  	[tilespmem:s22], [sflag:$0x3] =	stream.indirect_vreg.gather [hbm4b:s2+s3], $0x80, v3, vm0, $0xb8;
	[tilespmem:$0x1C200] =	vst v63  }
0x192: {  	v3 =	vld [tilespmem:$0x1D0];
	_ =	sdelay $0x4  }
0x193: {  	v61 =	vshll.u32 v3, $0x1  }
0x194: {  	v3 =	vand.u32 $0x7, v3;
	v4 =	vand.u32 $0xFFFFFFF0, v61  }
0x195: {  	v3 =	vor.u32 v3, v4  }
0x196: {  	v4 =	vperm.xlane v3, v0;
	_ =	sdelay $0x1  }
0x197: {  	v3 =	vperm.xlane v3, v2;
	v4 =	vadd.s32 v1, v4;
	_ =	sdelay $0x1  }
0x198: {  	v3 =	vadd.s32 v1, v3;
	_ =	sdelay $0x2  }
0x199: {  	[tilespmem:s23], [sflag:$0x3] =	stream.indirect_vreg.gather [hbm4b:s2+s3], $0x80, v4, vm0, $0xb8;
	[tilespmem:$0x1C200] =	vst v63  }
0x19a: {  	_ = 	snop  }
0x19b: {  	[tilespmem:s24], [sflag:$0x3] =	stream.indirect_vreg.gather [hbm4b:s2+s3], $0x80, v3, vm0, $0xb8;
	[tilespmem:$0x1C200] =	vst v63  }
0x19c: {  	v3 =	vld [tilespmem:$0x1E0];
	_ =	sdelay $0x4  }
0x19d: {  	v62 =	vshll.u32 v3, $0x1  }
0x19e: {  	v3 =	vand.u32 $0x7, v3;
	v4 =	vand.u32 $0xFFFFFFF0, v62  }
0x19f: {  	v3 =	vor.u32 v3, v4  }
0x1a0: {  	v4 =	vperm.xlane v3, v0;
	_ =	sdelay $0x1  }
0x1a1: {  	v3 =	vperm.xlane v3, v2;
	v4 =	vadd.s32 v1, v4;
	_ =	sdelay $0x1  }
0x1a2: {  	v3 =	vadd.s32 v1, v3;
	_ =	sdelay $0x2  }
0x1a3: {  	[tilespmem:s25], [sflag:$0x3] =	stream.indirect_vreg.gather [hbm4b:s2+s3], $0x80, v4, vm0, $0xb8;
	[tilespmem:$0x1C200] =	vst v63  }
0x1a4: {  	_ = 	snop  }
0x1a5: {  	[tilespmem:s26], [sflag:$0x3] =	stream.indirect_vreg.gather [hbm4b:s2+s3], $0x80, v3, vm0, $0xb8;
	[tilespmem:$0x1C200] =	vst v63  }
0x1a6: {  	v3 =	vld [tilespmem:$0x1F0];
	_ =	sdelay $0x4  }
0x1a7: {  	v63 =	vshll.u32 v3, $0x1  }
0x1a8: {  	v3 =	vand.u32 $0x7, v3;
	v4 =	vand.u32 $0xFFFFFFF0, v63  }
0x1a9: {  	v3 =	vor.u32 v3, v4  }
0x1aa: {  	v4 =	vperm.xlane v3, v0;
	_ =	sdelay $0x1  }
0x1ab: {  	v3 =	vperm.xlane v3, v2;
	v4 =	vadd.s32 v1, v4;
	_ =	sdelay $0x1  }
0x1ac: {  	v3 =	vadd.s32 v1, v3;
	_ =	sdelay $0x2  }
0x1ad: {  	[tilespmem:s28], [sflag:$0x3] =	stream.indirect_vreg.gather [hbm4b:s2+s3], $0x80, v4, vm0, $0xb8;
	[tilespmem:$0x1C200] =	vst v63  }
0x1ae: {  	_ = 	snop  }
0x1af: {  	[tilespmem:s29], [sflag:$0x3] =	stream.indirect_vreg.gather [hbm4b:s2+s3], $0x80, v3, vm0, $0xb8;
	[tilespmem:$0x1C200] =	vst v63  }
0x1b0: {  	_ =	swait.ge [sflag:s30], $0x4000  }
0x1b1: {  	[sflag:s30] =	ssyncset.done $0x0  }
0x1b2: {  	s8 =	rddreg [dreg:$0x8];
	[sflag:s30] =	ssyncadd.s32 $0xFFFFC000  }
0x1b3: {  	[hbm4b:s8+s3] =	stream.linear.scatter [tilespmem:s21], [sflag:$0x4], $0x4000, $0x38;
	[tilespmem:$0x1C200] =	vst v63  }
0x1b4: {  	_ =	swait.ge [sflag:s1], $0x8000  }
0x1b5: {  	[sflag:s1] =	ssyncset.done $0x0  }
0x1b6: {  	[sflag:s1] =	ssyncadd.s32 $0xFFFF8000  }
0x1b7: {  	_ =	swait.ge [sflag:s1], $0x8000  }
0x1b8: {  	[sflag:s1] =	ssyncset.done $0x0  }
0x1b9: {  	[sflag:s1] =	ssyncadd.s32 $0xFFFF8000  }
0x1ba: {  	p0 =	sne.s32 s7, $0x1;
	_ =	swait.ge [sflag:s1], $0x8000  }
.Ltmp0:
0x1bb: {  	[sflag:s1] =	ssyncset.done $0x0;
	(pc) =	sbr.rel @p0 .LBB2_1-.Ltmp0, $4  }
0x1bc: {  	[sflag:s1] =	ssyncadd.s32 $0xFFFF8000  }
0x1bd: {  	_ =	swait.ge [sflag:s1], $0x4000  }
0x1be: {  	[sflag:s1] =	ssyncset.done $0x0  }
0x1bf: {  	s7 =	sadd.s32 $0xFFFFFFFF, s7;
	[sflag:s1] =	ssyncadd.s32 $0xFFFFC000  }
0x1c0: {  	_ =	sfence.sel $0x180000  }
0x1c1: {  	[bflag:$0x0] =	sbarrier.arrive $0xFFFF  }
0x1c2: {  	_ =	strace $0x90000047  }
0x1c3: {  	s0 =	stileid.u32;
	[bflag:$0x2] =	sbarrier.arrive $0xFFFF  }
0x1c4: {  	p0 =	sne.s32 s0, $0x0;
	s0 =	rddreg [dreg:$0x3]  }
0x1c5: {  	s0 =	sadd.s32 @!p0 $0x100000, s0  }
0x1c6: {  	[sflag:s0] =	ssyncadd.tile.s32 @!p0 $0x1;
	_ =	shalt  }
.Lfunc_end2:
_tile_overlayer_lowered:
.L_overlay_start_2:
0x1c7: {  	(tag) =	ssettag $0x2  }
0x1c8: {  	s0 =	rddreg [dreg:$0x0];
	s2 =	stileid.u32  }
0x1c9: {  	s1 =	rddreg [dreg:$0x1];
	p0 =	sne.s32 s2, $0x0  }
0x1ca: {  	s3 =	rddreg [dreg:$0x2];
	[bflag:$0x3] =	sbarrier.arrive $0xFFFF;
	s2 =	simm.s32 @!p0 $0x1C06  }
0x1cb: {  	[timem:s3], [sflag:s2] =	dma.local @!p0 [hbm:s0], s1  }
0x1cc: {  	s0 =	simm.s32 @!p0 $0x6  }
0x1cd: {  	_ =	swait.ge @!p0 [sflag:s0], s1  }
0x1ce: {  	s1 =	ssub.s32 @!p0 $0x0, s1;
	[sflag:s0] =	ssyncset.done @!p0 $0x0  }
0x1cf: {  	[sflag:s0] =	ssyncadd.s32 @!p0 s1  }
0x1d0: {  	[bflag:$0x3] =	sbarrier.arrive $0xFFFF  }
0x1d1: {  	_ =	shalt  }

</sc_bundles>
